<compile_context>
chip_gen: v7x
topology: tpu7x:2x2x1
jax: 0.10.2.dev20260603
libtpu: 0.0.44.dev20260713+nightly
codegen_flags: <defaults>
</compile_context>

<pallas_src>
import functools

import jax
import jax.numpy as jnp
from jax import lax
from jax.experimental import pallas as pl
from jax.experimental.pallas import tpu as pltpu
from jax.experimental.pallas import tpu_sc as plsc

f32 = jnp.float32
i32 = jnp.int32

_NW = 32
_NSUB = 16
_L = 16


def _ceil_to(x, m):
    return (x + m - 1) // m * m


def _k1_matvec(x, w):
    n, d = x.shape
    blk = 1000
    grid = n // blk

    def body(x_ref, w_ref, o_ref):
        o_ref[...] = jnp.dot(x_ref[...], w_ref[...],
                             preferred_element_type=f32,
                             precision=lax.Precision.HIGHEST)

    return pl.pallas_call(
        body,
        grid=(grid,),
        in_specs=[pl.BlockSpec((blk, d), lambda i: (i, 0)),
                  pl.BlockSpec((d, 8), lambda i: (0, 0))],
        out_specs=pl.BlockSpec((blk, 8), lambda i: (i, 0)),
        out_shape=jax.ShapeDtypeStruct((n, 8), f32),
    )(x, w)


def _k2_scores(a, b, col, row, ew, *, nb, ch, etp):
    mesh = plsc.VectorSubcoreMesh(core_axis_name="c", subcore_axis_name="s")

    @functools.partial(
        pl.kernel,
        out_type=[jax.ShapeDtypeStruct((_NW, nb), f32),
                  jax.ShapeDtypeStruct((_NW, nb), f32),
                  jax.ShapeDtypeStruct((etp,), f32)],
        mesh=mesh,
        scratch_types=[pltpu.VMEM((nb,), f32),
                       pltpu.VMEM((nb,), f32),
                       pltpu.VMEM((ch,), i32),
                       pltpu.VMEM((ch,), i32),
                       pltpu.VMEM((ch,), f32),
                       pltpu.VMEM((ch,), f32),
                       pltpu.VMEM((nb,), f32),
                       pltpu.VMEM((nb,), f32)],
        compiler_params=pltpu.CompilerParams(needs_layout_passes=False),
    )
    def k(a_hbm, b_hbm, col_hbm, row_hbm, ew_hbm, h_hbm, s_hbm, x_hbm,
          a_v, b_v, col_v, row_v, ew_v, x_v, h_v, s_v):
        wid = lax.axis_index("s") * 2 + lax.axis_index("c")
        e0 = pl.multiple_of(wid * ch, 8)
        pltpu.sync_copy(a_hbm, a_v)
        pltpu.sync_copy(b_hbm, b_v)
        pltpu.sync_copy(col_hbm.at[pl.ds(e0, ch)], col_v)
        pltpu.sync_copy(row_hbm.at[pl.ds(e0, ch)], row_v)
        pltpu.sync_copy(ew_hbm.at[pl.ds(e0, ch)], ew_v)

        zeros = jnp.zeros((_L,), f32)

        def zbody(i, _):
            sl = pl.ds(pl.multiple_of(i * _L, _L), _L)
            h_v[sl] = zeros
            s_v[sl] = zeros
            return ()

        lax.fori_loop(0, nb // _L, zbody, (), unroll=4)

        ones = jnp.full((_L,), 1.0, f32)

        def gbody(g, _):
            sl = pl.ds(pl.multiple_of(g * _L, _L), _L)
            c = col_v[sl]
            r = row_v[sl]
            w = plsc.load_gather(a_v, [r]) + plsc.load_gather(b_v, [c])
            w = jnp.where(w >= 0, w, 0.01 * w) + ew_v[sl]
            e = jnp.exp(w)
            x_v[sl] = e
            plsc.addupdate_scatter(h_v, [c], ones)
            plsc.addupdate_scatter(s_v, [c], e)
            return ()

        lax.fori_loop(0, ch // _L, gbody, (), unroll=2)

        pltpu.sync_copy(h_v, h_hbm.at[wid])
        pltpu.sync_copy(s_v, s_hbm.at[wid])
        pltpu.sync_copy(x_v, x_hbm.at[pl.ds(e0, ch)])

    return k(a, b, col, row, ew)


def _k3_offsets(h, s, *, nb):
    binw = nb // _NSUB
    mesh = plsc.VectorSubcoreMesh(core_axis_name="c", subcore_axis_name="s")

    @functools.partial(
        pl.kernel,
        out_type=[jax.ShapeDtypeStruct((_NW, nb), f32),
                  jax.ShapeDtypeStruct((nb,), f32),
                  jax.ShapeDtypeStruct((_NSUB, _L), f32)],
        mesh=mesh,
        scratch_types=[pltpu.VMEM((_NW, binw), f32),
                       pltpu.VMEM((_NW, binw), f32),
                       pltpu.VMEM((_NW, binw), f32),
                       pltpu.VMEM((binw,), f32),
                       pltpu.VMEM((binw,), f32),
                       pltpu.VMEM((binw,), f32),
                       pltpu.VMEM((binw,), f32),
                       pltpu.VMEM((_L,), f32),
                       pltpu.VMEM((_NSUB, _L), f32)],
        compiler_params=pltpu.CompilerParams(needs_layout_passes=False),
    )
    def k(h_hbm, s_hbm, base_hbm, stot_hbm, tot_hbm,
          h_v, s_v, p_v, cnt_v, incl_v, stot_v, tmp_v, c16_v, tv_v):
        cid = lax.axis_index("c")
        sid = lax.axis_index("s")

        @pl.when(cid == 0)
        def _():
            c0 = pl.multiple_of(sid * binw, 8)

            def ld(t, _):
                pltpu.sync_copy(h_hbm.at[t, pl.ds(c0, binw)], h_v.at[t])
                pltpu.sync_copy(s_hbm.at[t, pl.ds(c0, binw)], s_v.at[t])
                return ()

            lax.fori_loop(0, _NW, ld, ())

            zeros = jnp.zeros((_L,), f32)

            def cbody(ci, _):
                sl = pl.ds(pl.multiple_of(ci * _L, _L), _L)

                def tbody(t, carry):
                    acc, sacc = carry
                    p_v[t, sl] = acc
                    return acc + h_v[t, sl], sacc + s_v[t, sl]

                acc, sacc = lax.fori_loop(0, _NW, tbody, (zeros, zeros))
                cnt_v[sl] = acc
                stot_v[sl] = sacc
                return ()

            lax.fori_loop(0, binw // _L, cbody, ())

            last_idx = jnp.full((_L,), _L - 1, i32)

            def csum(ci, carry):
                sl = pl.ds(pl.multiple_of(ci * _L, _L), _L)
                cs = plsc.cumsum(cnt_v[sl]) + carry
                incl_v[sl] = cs
                return cs.at[last_idx].get(mode="promise_in_bounds")

            tot = lax.fori_loop(0, binw // _L, csum, zeros)

            c16_v[...] = tot
            pltpu.sync_copy(c16_v, tot_hbm.at[sid])
            plsc.subcore_barrier()
            pltpu.sync_copy(tot_hbm, tv_v)
            io = lax.iota(i32, _L)
            tvals = plsc.load_gather(tv_v, [io, jnp.zeros((_L,), i32)])
            pfx = plsc.cumsum(tvals) - tvals
            off = pfx.at[jnp.full((_L,), sid, i32)].get(
                mode="promise_in_bounds")

            def wbody(t, _):
                def wci(ci, _):
                    sl = pl.ds(pl.multiple_of(ci * _L, _L), _L)
                    excl = incl_v[sl] + off - cnt_v[sl]
                    tmp_v[sl] = p_v[t, sl] + excl
                    return ()

                lax.fori_loop(0, binw // _L, wci, ())
                pltpu.sync_copy(tmp_v, base_hbm.at[t, pl.ds(c0, binw)])
                return ()

            lax.fori_loop(0, _NW, wbody, ())
            pltpu.sync_copy(stot_v, stot_hbm.at[pl.ds(c0, binw)])

    return k(h, s)


def _k4_scatter(base, stot, col, row, ew, em, expw, kc, fill,
                *, nb, ch, etp, n):
    mesh = plsc.VectorSubcoreMesh(core_axis_name="c", subcore_axis_name="s")

    @functools.partial(
        pl.kernel,
        out_type=[jax.ShapeDtypeStruct((etp,), i32),
                  jax.ShapeDtypeStruct((etp,), i32),
                  jax.ShapeDtypeStruct((etp,), f32),
                  jax.ShapeDtypeStruct((etp,), f32),
                  jax.ShapeDtypeStruct((etp,), f32),
                  jax.ShapeDtypeStruct((nb,), f32)],
        mesh=mesh,
        scratch_types=[pltpu.VMEM((nb,), f32),
                       pltpu.VMEM((nb,), f32),
                       pltpu.VMEM((ch,), i32),
                       pltpu.VMEM((ch,), i32),
                       pltpu.VMEM((ch,), f32),
                       pltpu.VMEM((ch,), f32),
                       pltpu.VMEM((ch,), f32),
                       pltpu.VMEM((ch,), i32),
                       pltpu.VMEM((ch,), f32),
                       pltpu.VMEM((ch,), f32),
                       pltpu.VMEM((ch,), f32),
                       pltpu.VMEM((ch,), f32),
                       pltpu.VMEM((ch,), f32),
                       pltpu.VMEM((ch,), i32),
                       pltpu.VMEM((_L,), f32),
                       pltpu.SemaphoreType.DMA],
        compiler_params=pltpu.CompilerParams(needs_layout_passes=False),
    )
    def k(base_hbm, stot_hbm, col_hbm, row_hbm, ew_hbm, em_hbm, x_hbm,
          kc_hbm, fill_hbm,
          rows_hbm, cols_hbm, ewo_hbm, emo_hbm, y_hbm, intra_hbm,
          base_v, s_v, col_v, row_v, ew_v, em_v, x_v, pos_v, p_v, kc_v,
          y_v, ewo_v, emo_v, ii_v, fill_v, sem):
        wid = lax.axis_index("s") * 2 + lax.axis_index("c")
        e0 = pl.multiple_of(wid * ch, 8)
        pltpu.sync_copy(base_hbm.at[wid], base_v)
        pltpu.sync_copy(stot_hbm, s_v)
        pltpu.sync_copy(col_hbm.at[pl.ds(e0, ch)], col_v)
        pltpu.sync_copy(row_hbm.at[pl.ds(e0, ch)], row_v)
        pltpu.sync_copy(ew_hbm.at[pl.ds(e0, ch)], ew_v)
        pltpu.sync_copy(em_hbm.at[pl.ds(e0, ch)], em_v)
        pltpu.sync_copy(x_hbm.at[pl.ds(e0, ch)], x_v)
        pltpu.sync_copy(fill_hbm, fill_v)

        def gbody(g, _):
            sl = pl.ds(pl.multiple_of(g * _L, _L), _L)
            c = col_v[sl]
            bg = plsc.load_gather(base_v, [c])
            cnt, lastm = plsc.scan_count(c)
            cntf = cnt.astype(f32)
            plsc.store_scatter(base_v, [c], bg + cntf, mask=lastm)
            pos_v[sl] = (bg + cntf - 1.0).astype(i32)
            sg = plsc.load_gather(s_v, [c])
            p = x_v[sl] / (sg + 1e-16)
            p_v[sl] = jnp.minimum(jnp.maximum(p, 1e-6), 1.0 - 1e-6)
            return ()

        lax.fori_loop(0, ch // _L, gbody, (), unroll=2)

        pltpu.async_copy(kc_hbm.at[pos_v], kc_v, sem).wait()

        fillv = fill_v[...]
        nvec = jnp.full((_L,), n, i32)

        def fbody(g, _):
            sl = pl.ds(pl.multiple_of(g * _L, _L), _L)
            p = p_v[sl]
            q = 1.0 - p
            aa = p * p
            bb = kc_v[sl] * (q * q)
            y = aa / (aa + bb)
            yh = jnp.where(y > 0.5, 1.0, 0.0)
            yst = (yh - y) + y
            ew = ew_v[sl]
            em = em_v[sl]
            y_v[sl] = y
            ewo_v[sl] = jnp.where(ew == 0.0, yst, ew)
            emo_v[sl] = jnp.where((em == 0.0) & (yh == 1.0), fillv, em)
            ii_v[sl] = jnp.where(em == -1.0, col_v[sl], nvec)
            return ()

        lax.fori_loop(0, ch // _L, fbody, (), unroll=2)

        pltpu.sync_copy(row_v, rows_hbm.at[pos_v])
        pltpu.sync_copy(col_v, cols_hbm.at[pos_v])
        pltpu.sync_copy(ewo_v, ewo_hbm.at[pos_v])
        pltpu.sync_copy(emo_v, emo_hbm.at[pos_v])
        pltpu.sync_copy(y_v, y_hbm.at[pos_v])
        pltpu.sync_copy(y_v, intra_hbm.at[ii_v])

    return k(base, stot, col, row, ew, em, expw, kc, fill)


def kernel(x, edge_index, edge_weight, edge_mask, layer, att):
    n, d = x.shape
    e = edge_index.shape[1]
    et = e + n
    ch = _ceil_to(et, _NW * _L) // _NW
    etp = ch * _NW
    nb = _ceil_to(n + 1, 1024)

    idt = edge_index.dtype
    loop = jnp.arange(n, dtype=idt)
    pad = etp - et
    row = jnp.concatenate([edge_index[0], loop,
                           jnp.zeros((pad,), idt)]).astype(i32)
    col = jnp.concatenate([edge_index[1], loop,
                           jnp.full((pad,), n, idt)]).astype(i32)
    ew = jnp.concatenate([edge_weight, jnp.zeros((n,), f32),
                          jnp.zeros((pad,), f32)])
    em = jnp.concatenate([edge_mask, jnp.full((n,), -1.0, f32),
                          jnp.zeros((pad,), f32)])

    w8 = jnp.zeros((d, 8), f32)
    w8 = w8.at[:, 0].set(att[0, :d]).at[:, 1].set(att[0, d:])
    ab = _k1_matvec(x, w8)
    a = jnp.concatenate([ab[:, 0], jnp.zeros((nb - n,), f32)])
    b = jnp.concatenate([ab[:, 1], jnp.zeros((nb - n,), f32)])

    u = jax.random.uniform(jax.random.key(42), (et,),
                           minval=1e-6, maxval=1.0 - 1e-6)
    kc = jnp.concatenate([((1.0 - u) / u) ** 2, jnp.ones((pad,), f32)])

    h, s, expw = _k2_scores(a, b, col, row, ew, nb=nb, ch=ch, etp=etp)
    base, stot, _ = _k3_offsets(h, s, nb=nb)
    fill = jnp.full((_L,), jnp.asarray(layer + 1).astype(f32))
    rows, cols, ewo, emo, ysoft, intra = _k4_scatter(
        base, stot, col, row, ew, em, expw, kc, fill,
        nb=nb, ch=ch, etp=etp, n=n)

    edge_index_out = jnp.stack([rows[:et], cols[:et]]).astype(idt)
    return (edge_index_out, ewo[:et], ysoft[:et], emo[:et], intra[:n])

# --- scband reference (transcript-rebuilt; emitter-appended) ---
"""Pipeline reference for scband-structure-learinng-84885733638730 (READ-ONLY COPY).

The authoritative reference and input builder live on the scoring server;
editing this copy changes nothing except your own understanding.
"""

import jax, jax.numpy as jnp
import numpy as np

N = 10000
E = 160000
D = 256
THRESHOLD = 0.5
TEMPERATURE = 0.5


def setup_inputs(seed: int = 0) -> dict:
    key = jax.random.key(seed)
    k1, k2, k3, k4, k5, k6 = jax.random.split(key, 6)
    x = jax.random.normal(k1, (N, D), dtype=jnp.float32)
    # build edge_index with no pre-existing self loops so that
    # add_remaining_self_loops appends exactly N loops (static shape)
    src = jax.random.randint(k2, (E,), 0, N)
    off = jax.random.randint(k3, (E,), 1, N)
    dst = (src + off) % N
    edge_index = jnp.stack([src, dst])
    edge_weight = jax.random.randint(k4, (E,), 0, 2).astype(jnp.float32)
    edge_mask = jax.random.randint(k5, (E,), 0, 2).astype(jnp.float32)
    limit = float(np.sqrt(6.0 / (1 + 2 * D)))  # glorot for att [1, 2D]
    att = jax.random.uniform(k6, (1, 2 * D), minval=-limit, maxval=limit, dtype=jnp.float32)
    return {"x": x, "edge_index": edge_index, "edge_weight": edge_weight,
            "edge_mask": edge_mask, "layer": 1, "att": att}


def _segment_softmax(w, col, n):
    # faithful to torch_geometric.utils.softmax: exp(src - max) / (sum + 1e-16)
    m = jax.ops.segment_max(w, col, num_segments=n)
    m = jnp.where(jnp.isfinite(m), m, 0.0)
    e = jnp.exp(w - m[col])
    s = jax.ops.segment_sum(e, col, num_segments=n)
    return e / (s[col] + 1e-16)


def reference(x, edge_index, edge_weight, edge_mask, layer, att):
    n = x.shape[0]
    # add_remaining_self_loops (edge_mask fill -1, edge_weight fill 0)
    loop = jnp.arange(n, dtype=edge_index.dtype)
    edge_index = jnp.concatenate([edge_index, jnp.stack([loop, loop])], axis=1)
    edge_mask = jnp.concatenate([edge_mask, jnp.full((n,), -1.0, dtype=edge_mask.dtype)])
    edge_weight = jnp.concatenate([edge_weight, jnp.zeros((n,), dtype=edge_weight.dtype)])
    # emb_layer == 0 for emb_type='1_hop' -> no GNN embedding
    w = (jnp.concatenate([x[edge_index[0]], x[edge_index[1]]], axis=1) * att).sum(-1)
    w = jax.nn.leaky_relu(w, negative_slope=0.01) + edge_weight
    row, col = edge_index[0], edge_index[1]
    col_id = jnp.argsort(col)
    col = col[col_id]
    row = row[col_id]
    edge_index = jnp.stack([row, col])
    w = w[col_id]
    edge_weight = edge_weight[col_id]
    edge_mask = edge_mask[col_id]
    # sparse == 'gumbel_hard': softmax then RelaxedBernoulli straight-through
    probs = _segment_softmax(w, col, n)
    probs = jnp.clip(probs, 1e-6, 1.0 - 1e-6)
    logits = jnp.log(probs) - jnp.log1p(-probs)
    u = jax.random.uniform(jax.random.key(42), probs.shape, minval=1e-6, maxval=1.0 - 1e-6)
    y = jax.nn.sigmoid((logits + jnp.log(u) - jnp.log1p(-u)) / TEMPERATURE)
    y_soft = y
    y_hard = (y > THRESHOLD).astype(y.dtype)
    y = jax.lax.stop_gradient(y_hard - y) + y
    edge_weight_out = jnp.where(edge_weight == 0, y, edge_weight)
    edge_mask_out = jnp.where((edge_mask == 0) & (y_hard == 1), jnp.asarray(layer + 1).astype(edge_mask.dtype), edge_mask)
    sel = jnp.nonzero(edge_mask_out == -1, size=n)[0]
    intra_soft_edge = y_soft[sel]
    return (edge_index, edge_weight_out, y_soft, edge_mask_out, intra_soft_edge)

if __name__ == "__main__":
    import jax
    _d = setup_inputs()
    print(jax.jit(kernel)(*tuple(_d.values())))

</pallas_src>

<mosaic_0001>
#map = affine_map<(d0, d1) -> (0, 0)>
#map1 = affine_map<(d0, d1) -> (0)>
module attributes {stable_mosaic.version = 14 : i64} {
  func.func @k(%arg0: i32, %arg1: i32, %arg2: memref<32x10240xf32, #tpu.memory_space<hbm>>, %arg3: memref<32x10240xf32, #tpu.memory_space<hbm>>, %arg4: memref<32x10240xf32, #tpu.memory_space<hbm>>, %arg5: memref<10240xf32, #tpu.memory_space<hbm>>, %arg6: memref<16x16xf32, #tpu.memory_space<hbm>>, %arg7: memref<32x640xf32, #tpu.memory_space<vmem>>, %arg8: memref<32x640xf32, #tpu.memory_space<vmem>>, %arg9: memref<32x640xf32, #tpu.memory_space<vmem>>, %arg10: memref<640xf32, #tpu.memory_space<vmem>>, %arg11: memref<640xf32, #tpu.memory_space<vmem>>, %arg12: memref<640xf32, #tpu.memory_space<vmem>>, %arg13: memref<640xf32, #tpu.memory_space<vmem>>, %arg14: memref<16xf32, #tpu.memory_space<vmem>>, %arg15: memref<16x16xf32, #tpu.memory_space<vmem>>) attributes {dimension_semantics = [#tpu.dimension_semantics<core_parallel>, #tpu.dimension_semantics<subcore_parallel>], iteration_bounds = array<i64: 2, 16>, scalar_prefetch = 0 : i64, scratch_operands = 9 : i64, tpu.core_type = #tpu.core_type<sc_vector_subcore>, window_params = [{transform_indices = #map}, {transform_indices = #map}, {transform_indices = #map}, {transform_indices = #map1}, {transform_indices = #map}]} {
    %eq3A = arith.constant 0 : i32
    %eq3A_0 = arith.cmpi eq, %arg0, %eq3A : i32
    %convert_element_type3A = arith.extui %eq3A_0 : i1 to i32
    %cond3A = arith.constant 0 : i32
    %cond3A_1 = arith.cmpi ne, %convert_element_type3A, %cond3A : i32
    scf.if %cond3A_1 {
      %mul3A = arith.constant 640 : i32
      %mul3A_2 = arith.muli %arg1, %mul3A : i32
      %multiple_of3A = tpu.assume_multiple %mul3A_2, 8 : i32
      %scan3A = arith.constant 0 : i32
      %scan3A_3 = arith.constant 32 : i32
      %scan3A_4 = arith.addi %scan3A, %scan3A_3 : i32
      %scan3A_5 = arith.constant 1 : i32
      scf.for %scan3A_39 = %scan3A to %scan3A_4 step %scan3A_5  : i32 {
        "tpu.region"() ({
          %run_scoped3A = tpu.sem_alloc : memref<!tpu.dma_semaphore, #tpu.memory_space<semaphore_mem>>
          %dma_start3A = arith.constant 0 : i32
          %dma_start3A_40 = tpu.memref_slice %arg7[%scan3A_39, %dma_start3A] : memref<32x640xf32, #tpu.memory_space<vmem>> -> memref<1x640xf32, #tpu.memory_space<vmem>>
          %dma_start3A_41 = tpu.memref_squeeze %dma_start3A_40 : memref<1x640xf32, #tpu.memory_space<vmem>> -> memref<640xf32, #tpu.memory_space<vmem>>
          %dma_start3A_42 = tpu.memref_slice %arg2[%scan3A_39, %multiple_of3A] : memref<32x10240xf32, #tpu.memory_space<hbm>> -> memref<1x640xf32, #tpu.memory_space<hbm>>
          %dma_start3A_43 = tpu.memref_squeeze %dma_start3A_42 : memref<1x640xf32, #tpu.memory_space<hbm>> -> memref<640xf32, #tpu.memory_space<hbm>>
          %dma_start3A_44 = arith.constant 0 : i32
          %dma_start3A_45 = tpu.memref_slice %arg7[%scan3A_39, %dma_start3A_44] : memref<32x640xf32, #tpu.memory_space<vmem>> -> memref<1x640xf32, #tpu.memory_space<vmem>>
          %dma_start3A_46 = tpu.memref_squeeze %dma_start3A_45 : memref<1x640xf32, #tpu.memory_space<vmem>> -> memref<640xf32, #tpu.memory_space<vmem>>
          %dma_start3A_47 = tpu.memref_slice %arg2[%scan3A_39, %multiple_of3A] : memref<32x10240xf32, #tpu.memory_space<hbm>> -> memref<1x640xf32, #tpu.memory_space<hbm>>
          %dma_start3A_48 = tpu.memref_squeeze %dma_start3A_47 : memref<1x640xf32, #tpu.memory_space<hbm>> -> memref<640xf32, #tpu.memory_space<hbm>>
          tpu.enqueue_dma source(%dma_start3A_48 : memref<640xf32, #tpu.memory_space<hbm>>) target(%dma_start3A_46 : memref<640xf32, #tpu.memory_space<vmem>>) target_semaphore(%run_scoped3A : memref<!tpu.dma_semaphore, #tpu.memory_space<semaphore_mem>>)
          %dma_wait3A = arith.constant 0 : i32
          %dma_wait3A_49 = tpu.memref_slice %arg7[%scan3A_39, %dma_wait3A] : memref<32x640xf32, #tpu.memory_space<vmem>> -> memref<1x640xf32, #tpu.memory_space<vmem>>
          %dma_wait3A_50 = tpu.memref_squeeze %dma_wait3A_49 : memref<1x640xf32, #tpu.memory_space<vmem>> -> memref<640xf32, #tpu.memory_space<vmem>>
          %dma_wait3A_51 = tpu.memref_slice %arg2[%scan3A_39, %multiple_of3A] : memref<32x10240xf32, #tpu.memory_space<hbm>> -> memref<1x640xf32, #tpu.memory_space<hbm>>
          %dma_wait3A_52 = tpu.memref_squeeze %dma_wait3A_51 : memref<1x640xf32, #tpu.memory_space<hbm>> -> memref<640xf32, #tpu.memory_space<hbm>>
          %dma_wait3A_53 = arith.constant 0 : i32
          %dma_wait3A_54 = tpu.memref_slice %arg7[%scan3A_39, %dma_wait3A_53] : memref<32x640xf32, #tpu.memory_space<vmem>> -> memref<1x640xf32, #tpu.memory_space<vmem>>
          %dma_wait3A_55 = tpu.memref_squeeze %dma_wait3A_54 : memref<1x640xf32, #tpu.memory_space<vmem>> -> memref<640xf32, #tpu.memory_space<vmem>>
          %dma_wait3A_56 = tpu.memref_slice %arg2[%scan3A_39, %multiple_of3A] : memref<32x10240xf32, #tpu.memory_space<hbm>> -> memref<1x640xf32, #tpu.memory_space<hbm>>
          %dma_wait3A_57 = tpu.memref_squeeze %dma_wait3A_56 : memref<1x640xf32, #tpu.memory_space<hbm>> -> memref<640xf32, #tpu.memory_space<hbm>>
          tpu.wait_dma2 semaphore(%run_scoped3A : memref<!tpu.dma_semaphore, #tpu.memory_space<semaphore_mem>>) src(%dma_wait3A_57 : memref<640xf32, #tpu.memory_space<hbm>>) dst(%dma_wait3A_55 : memref<640xf32, #tpu.memory_space<vmem>>)
          tpu.yield
        }) : () -> ()
        "tpu.region"() ({
          %run_scoped3A = tpu.sem_alloc : memref<!tpu.dma_semaphore, #tpu.memory_space<semaphore_mem>>
          %dma_start3A = arith.constant 0 : i32
          %dma_start3A_40 = tpu.memref_slice %arg8[%scan3A_39, %dma_start3A] : memref<32x640xf32, #tpu.memory_space<vmem>> -> memref<1x640xf32, #tpu.memory_space<vmem>>
          %dma_start3A_41 = tpu.memref_squeeze %dma_start3A_40 : memref<1x640xf32, #tpu.memory_space<vmem>> -> memref<640xf32, #tpu.memory_space<vmem>>
          %dma_start3A_42 = tpu.memref_slice %arg3[%scan3A_39, %multiple_of3A] : memref<32x10240xf32, #tpu.memory_space<hbm>> -> memref<1x640xf32, #tpu.memory_space<hbm>>
          %dma_start3A_43 = tpu.memref_squeeze %dma_start3A_42 : memref<1x640xf32, #tpu.memory_space<hbm>> -> memref<640xf32, #tpu.memory_space<hbm>>
          %dma_start3A_44 = arith.constant 0 : i32
          %dma_start3A_45 = tpu.memref_slice %arg8[%scan3A_39, %dma_start3A_44] : memref<32x640xf32, #tpu.memory_space<vmem>> -> memref<1x640xf32, #tpu.memory_space<vmem>>
          %dma_start3A_46 = tpu.memref_squeeze %dma_start3A_45 : memref<1x640xf32, #tpu.memory_space<vmem>> -> memref<640xf32, #tpu.memory_space<vmem>>
          %dma_start3A_47 = tpu.memref_slice %arg3[%scan3A_39, %multiple_of3A] : memref<32x10240xf32, #tpu.memory_space<hbm>> -> memref<1x640xf32, #tpu.memory_space<hbm>>
          %dma_start3A_48 = tpu.memref_squeeze %dma_start3A_47 : memref<1x640xf32, #tpu.memory_space<hbm>> -> memref<640xf32, #tpu.memory_space<hbm>>
          tpu.enqueue_dma source(%dma_start3A_48 : memref<640xf32, #tpu.memory_space<hbm>>) target(%dma_start3A_46 : memref<640xf32, #tpu.memory_space<vmem>>) target_semaphore(%run_scoped3A : memref<!tpu.dma_semaphore, #tpu.memory_space<semaphore_mem>>)
          %dma_wait3A = arith.constant 0 : i32
          %dma_wait3A_49 = tpu.memref_slice %arg8[%scan3A_39, %dma_wait3A] : memref<32x640xf32, #tpu.memory_space<vmem>> -> memref<1x640xf32, #tpu.memory_space<vmem>>
          %dma_wait3A_50 = tpu.memref_squeeze %dma_wait3A_49 : memref<1x640xf32, #tpu.memory_space<vmem>> -> memref<640xf32, #tpu.memory_space<vmem>>
          %dma_wait3A_51 = tpu.memref_slice %arg3[%scan3A_39, %multiple_of3A] : memref<32x10240xf32, #tpu.memory_space<hbm>> -> memref<1x640xf32, #tpu.memory_space<hbm>>
          %dma_wait3A_52 = tpu.memref_squeeze %dma_wait3A_51 : memref<1x640xf32, #tpu.memory_space<hbm>> -> memref<640xf32, #tpu.memory_space<hbm>>
          %dma_wait3A_53 = arith.constant 0 : i32
          %dma_wait3A_54 = tpu.memref_slice %arg8[%scan3A_39, %dma_wait3A_53] : memref<32x640xf32, #tpu.memory_space<vmem>> -> memref<1x640xf32, #tpu.memory_space<vmem>>
          %dma_wait3A_55 = tpu.memref_squeeze %dma_wait3A_54 : memref<1x640xf32, #tpu.memory_space<vmem>> -> memref<640xf32, #tpu.memory_space<vmem>>
          %dma_wait3A_56 = tpu.memref_slice %arg3[%scan3A_39, %multiple_of3A] : memref<32x10240xf32, #tpu.memory_space<hbm>> -> memref<1x640xf32, #tpu.memory_space<hbm>>
          %dma_wait3A_57 = tpu.memref_squeeze %dma_wait3A_56 : memref<1x640xf32, #tpu.memory_space<hbm>> -> memref<640xf32, #tpu.memory_space<hbm>>
          tpu.wait_dma2 semaphore(%run_scoped3A : memref<!tpu.dma_semaphore, #tpu.memory_space<semaphore_mem>>) src(%dma_wait3A_57 : memref<640xf32, #tpu.memory_space<hbm>>) dst(%dma_wait3A_55 : memref<640xf32, #tpu.memory_space<vmem>>)
          tpu.yield
        }) : () -> ()
      }
      %scan3A_6 = arith.constant 32 : i32
      %broadcast_in_dim3A = arith.constant 0.000000e+00 : f32
      %broadcast_in_dim3A_7 = vector.broadcast %broadcast_in_dim3A : f32 to vector<16xf32>
      %scan3A_8 = arith.constant 0 : i32
      %scan3A_9 = arith.constant 40 : i32
      %scan3A_10 = arith.addi %scan3A_8, %scan3A_9 : i32
      %scan3A_11 = arith.constant 1 : i32
      scf.for %scan3A_39 = %scan3A_8 to %scan3A_10 step %scan3A_11  : i32 {
        %mul3A_40 = arith.constant 16 : i32
        %mul3A_41 = arith.muli %scan3A_39, %mul3A_40 : i32
        %multiple_of3A_42 = tpu.assume_multiple %mul3A_41, 16 : i32
        %scan3A_43 = arith.constant 0 : i32
        %scan3A_44 = arith.constant 32 : i32
        %scan3A_45 = arith.addi %scan3A_43, %scan3A_44 : i32
        %scan3A_46 = arith.constant 1 : i32
        %scan3A_47:2 = scf.for %scan3A_53 = %scan3A_43 to %scan3A_45 step %scan3A_46 iter_args(%scan3A_54 = %broadcast_in_dim3A_7, %scan3A_55 = %broadcast_in_dim3A_7) -> (vector<16xf32>, vector<16xf32>)  : i32 {
          %swap3A_56 = arith.index_cast %scan3A_53 : i32 to index
          %swap3A_57 = arith.index_cast %multiple_of3A_42 : i32 to index
          %swap3A_58 = tpu.vector_load %arg9[%swap3A_56, %swap3A_57] {strides = array<i32>} : memref<32x640xf32, #tpu.memory_space<vmem>>, vector<16xf32>,
          tpu.vector_store %arg9[%swap3A_56, %swap3A_57], %scan3A_54 {strides = array<i32>} : memref<32x640xf32, #tpu.memory_space<vmem>>, vector<16xf32>,
          %get3A = arith.index_cast %scan3A_53 : i32 to index
          %get3A_59 = arith.index_cast %multiple_of3A_42 : i32 to index
          %get3A_60 = tpu.vector_load %arg7[%get3A, %get3A_59] {strides = array<i32>} : memref<32x640xf32, #tpu.memory_space<vmem>>, vector<16xf32>,
          %add3A_61 = arith.addf %scan3A_54, %get3A_60 : vector<16xf32>
          %get3A_62 = arith.index_cast %scan3A_53 : i32 to index
          %get3A_63 = arith.index_cast %multiple_of3A_42 : i32 to index
          %get3A_64 = tpu.vector_load %arg8[%get3A_62, %get3A_63] {strides = array<i32>} : memref<32x640xf32, #tpu.memory_space<vmem>>, vector<16xf32>,
          %add3A_65 = arith.addf %scan3A_55, %get3A_64 : vector<16xf32>
          scf.yield %add3A_61, %add3A_65 : vector<16xf32>, vector<16xf32>
        }
        %scan3A_48 = arith.constant 32 : i32
        %swap3A_49 = arith.index_cast %multiple_of3A_42 : i32 to index
        %swap3A_50 = tpu.vector_load %arg10[%swap3A_49] {strides = array<i32>} : memref<640xf32, #tpu.memory_space<vmem>>, vector<16xf32>,
        tpu.vector_store %arg10[%swap3A_49], %scan3A_47#0 {strides = array<i32>} : memref<640xf32, #tpu.memory_space<vmem>>, vector<16xf32>,
        %swap3A_51 = arith.index_cast %multiple_of3A_42 : i32 to index
        %swap3A_52 = tpu.vector_load %arg12[%swap3A_51] {strides = array<i32>} : memref<640xf32, #tpu.memory_space<vmem>>, vector<16xf32>,
        tpu.vector_store %arg12[%swap3A_51], %scan3A_47#1 {strides = array<i32>} : memref<640xf32, #tpu.memory_space<vmem>>, vector<16xf32>,
      }
      %scan3A_12 = arith.constant 40 : i32
      %broadcast_in_dim3A_13 = arith.constant 15 : i32
      %broadcast_in_dim3A_14 = vector.broadcast %broadcast_in_dim3A_13 : i32 to vector<16xi32>
      %scan3A_15 = arith.constant 0 : i32
      %scan3A_16 = arith.constant 40 : i32
      %scan3A_17 = arith.addi %scan3A_15, %scan3A_16 : i32
      %scan3A_18 = arith.constant 1 : i32
      %scan3A_19 = scf.for %scan3A_39 = %scan3A_15 to %scan3A_17 step %scan3A_18 iter_args(%scan3A_40 = %broadcast_in_dim3A_7) -> (vector<16xf32>)  : i32 {
        %mul3A_41 = arith.constant 16 : i32
        %mul3A_42 = arith.muli %scan3A_39, %mul3A_41 : i32
        %multiple_of3A_43 = tpu.assume_multiple %mul3A_42, 16 : i32
        %get3A = arith.index_cast %multiple_of3A_43 : i32 to index
        %get3A_44 = tpu.vector_load %arg10[%get3A] {strides = array<i32>} : memref<640xf32, #tpu.memory_space<vmem>>, vector<16xf32>,
        %broadcast_in_dim3A_45 = arith.constant true
        %broadcast_in_dim3A_46 = vector.broadcast %broadcast_in_dim3A_45 : i1 to vector<16xi1>
        %masked_cumsum3A_47 = tpu.scan <sum>, %get3A_44 masked %broadcast_in_dim3A_46 : vector<16xf32>, vector<16xi1> -> vector<16xf32>
        %add3A_48 = arith.addf %masked_cumsum3A_47, %scan3A_40 : vector<16xf32>
        %swap3A_49 = arith.index_cast %multiple_of3A_43 : i32 to index
        %swap3A_50 = tpu.vector_load %arg11[%swap3A_49] {strides = array<i32>} : memref<640xf32, #tpu.memory_space<vmem>>, vector<16xf32>,
        tpu.vector_store %arg11[%swap3A_49], %add3A_48 {strides = array<i32>} : memref<640xf32, #tpu.memory_space<vmem>>, vector<16xf32>,
        %lt3A_51 = arith.constant 0 : i32
        %lt3A_52 = vector.broadcast %lt3A_51 : i32 to vector<16xi32>
        %lt3A_53 = arith.cmpi slt, %broadcast_in_dim3A_14, %lt3A_52 : vector<16xi32>
        %add3A_54 = arith.constant 16 : i32
        %add3A_55 = vector.broadcast %add3A_54 : i32 to vector<16xi32>
        %add3A_56 = arith.addi %broadcast_in_dim3A_14, %add3A_55 : vector<16xi32>
        %select_n3A_57 = arith.select %lt3A_53, %add3A_56, %broadcast_in_dim3A_14 : vector<16xi1>, vector<16xi32>
        %broadcast_in_dim3A_58 = vector.shape_cast %select_n3A_57 : vector<16xi32> to vector<16x1xi32>
        %gather3A_59 = vector.shape_cast %broadcast_in_dim3A_58 : vector<16x1xi32> to vector<16xi32>
        %gather3A_60 = tpu.dynamic_gather %add3A_48[%gather3A_59] in [0] : vector<16xf32>, vector<16xi32> -> vector<16xf32>
        scf.yield %gather3A_60 : vector<16xf32>
      }
      %scan3A_20 = arith.constant 40 : i32
      %swap3A = arith.constant 0 : index
      %swap3A_21 = tpu.vector_load %arg14[%swap3A] {strides = array<i32>} : memref<16xf32, #tpu.memory_space<vmem>>, vector<16xf32>,
      tpu.vector_store %arg14[%swap3A], %scan3A_19 {strides = array<i32>} : memref<16xf32, #tpu.memory_space<vmem>>, vector<16xf32>,
      "tpu.region"() ({
        %run_scoped3A = tpu.sem_alloc : memref<!tpu.dma_semaphore, #tpu.memory_space<semaphore_mem>>
        %dma_start3A = arith.constant 0 : i32
        %dma_start3A_39 = tpu.memref_slice %arg6[%arg1, %dma_start3A] : memref<16x16xf32, #tpu.memory_space<hbm>> -> memref<1x16xf32, #tpu.memory_space<hbm>>
        %dma_start3A_40 = tpu.memref_squeeze %dma_start3A_39 : memref<1x16xf32, #tpu.memory_space<hbm>> -> memref<16xf32, #tpu.memory_space<hbm>>
        %dma_start3A_41 = arith.constant 0 : i32
        %dma_start3A_42 = tpu.memref_slice %arg6[%arg1, %dma_start3A_41] : memref<16x16xf32, #tpu.memory_space<hbm>> -> memref<1x16xf32, #tpu.memory_space<hbm>>
        %dma_start3A_43 = tpu.memref_squeeze %dma_start3A_42 : memref<1x16xf32, #tpu.memory_space<hbm>> -> memref<16xf32, #tpu.memory_space<hbm>>
        tpu.enqueue_dma source(%arg14 : memref<16xf32, #tpu.memory_space<vmem>>) target(%dma_start3A_43 : memref<16xf32, #tpu.memory_space<hbm>>) target_semaphore(%run_scoped3A : memref<!tpu.dma_semaphore, #tpu.memory_space<semaphore_mem>>)
        %dma_wait3A = arith.constant 0 : i32
        %dma_wait3A_44 = tpu.memref_slice %arg6[%arg1, %dma_wait3A] : memref<16x16xf32, #tpu.memory_space<hbm>> -> memref<1x16xf32, #tpu.memory_space<hbm>>
        %dma_wait3A_45 = tpu.memref_squeeze %dma_wait3A_44 : memref<1x16xf32, #tpu.memory_space<hbm>> -> memref<16xf32, #tpu.memory_space<hbm>>
        %dma_wait3A_46 = arith.constant 0 : i32
        %dma_wait3A_47 = tpu.memref_slice %arg6[%arg1, %dma_wait3A_46] : memref<16x16xf32, #tpu.memory_space<hbm>> -> memref<1x16xf32, #tpu.memory_space<hbm>>
        %dma_wait3A_48 = tpu.memref_squeeze %dma_wait3A_47 : memref<1x16xf32, #tpu.memory_space<hbm>> -> memref<16xf32, #tpu.memory_space<hbm>>
        tpu.wait_dma2 semaphore(%run_scoped3A : memref<!tpu.dma_semaphore, #tpu.memory_space<semaphore_mem>>) src(%arg14 : memref<16xf32, #tpu.memory_space<vmem>>) dst(%dma_wait3A_48 : memref<16xf32, #tpu.memory_space<hbm>>)
        tpu.yield
      }) : () -> ()
      %barrier3A = arith.constant 0 : index
      tpu.barrier barrier_id(%barrier3A)
      "tpu.region"() ({
        %run_scoped3A = tpu.sem_alloc : memref<!tpu.dma_semaphore, #tpu.memory_space<semaphore_mem>>
        tpu.enqueue_dma source(%arg6 : memref<16x16xf32, #tpu.memory_space<hbm>>) target(%arg15 : memref<16x16xf32, #tpu.memory_space<vmem>>) target_semaphore(%run_scoped3A : memref<!tpu.dma_semaphore, #tpu.memory_space<semaphore_mem>>)
        tpu.wait_dma2 semaphore(%run_scoped3A : memref<!tpu.dma_semaphore, #tpu.memory_space<semaphore_mem>>) src(%arg6 : memref<16x16xf32, #tpu.memory_space<hbm>>) dst(%arg15 : memref<16x16xf32, #tpu.memory_space<vmem>>)
        tpu.yield
      }) : () -> ()
      %iota3A = tpu.iota {dimensions = array<i32: 0>} : vector<16xi32>
      %broadcast_in_dim3A_22 = arith.constant 0 : i32
      %broadcast_in_dim3A_23 = vector.broadcast %broadcast_in_dim3A_22 : i32 to vector<16xi32>
      %gather3A = tpu.vector_load_idx %arg15[%iota3A, %broadcast_in_dim3A_23] : memref<16x16xf32, #tpu.memory_space<vmem>>[vector<16xi32>, vector<16xi32>], vector<16xf32>,
      %broadcast_in_dim3A_24 = arith.constant true
      %broadcast_in_dim3A_25 = vector.broadcast %broadcast_in_dim3A_24 : i1 to vector<16xi1>
      %masked_cumsum3A = tpu.scan <sum>, %gather3A masked %broadcast_in_dim3A_25 : vector<16xf32>, vector<16xi1> -> vector<16xf32>
      %sub3A = arith.subf %masked_cumsum3A, %gather3A : vector<16xf32>
      %broadcast_in_dim3A_26 = vector.broadcast %arg1 : i32 to vector<16xi32>
      %lt3A = arith.constant 0 : i32
      %lt3A_27 = vector.broadcast %lt3A : i32 to vector<16xi32>
      %lt3A_28 = arith.cmpi slt, %broadcast_in_dim3A_26, %lt3A_27 : vector<16xi32>
      %add3A = arith.constant 16 : i32
      %add3A_29 = vector.broadcast %add3A : i32 to vector<16xi32>
      %add3A_30 = arith.addi %broadcast_in_dim3A_26, %add3A_29 : vector<16xi32>
      %select_n3A = arith.select %lt3A_28, %add3A_30, %broadcast_in_dim3A_26 : vector<16xi1>, vector<16xi32>
      %broadcast_in_dim3A_31 = vector.shape_cast %select_n3A : vector<16xi32> to vector<16x1xi32>
      %gather3A_32 = vector.shape_cast %broadcast_in_dim3A_31 : vector<16x1xi32> to vector<16xi32>
      %gather3A_33 = tpu.dynamic_gather %sub3A[%gather3A_32] in [0] : vector<16xf32>, vector<16xi32> -> vector<16xf32>
      %scan3A_34 = arith.constant 0 : i32
      %scan3A_35 = arith.constant 32 : i32
      %scan3A_36 = arith.addi %scan3A_34, %scan3A_35 : i32
      %scan3A_37 = arith.constant 1 : i32
      scf.for %scan3A_39 = %scan3A_34 to %scan3A_36 step %scan3A_37  : i32 {
        %scan3A_40 = arith.constant 0 : i32
        %scan3A_41 = arith.constant 40 : i32
        %scan3A_42 = arith.addi %scan3A_40, %scan3A_41 : i32
        %scan3A_43 = arith.constant 1 : i32
        scf.for %scan3A_45 = %scan3A_40 to %scan3A_42 step %scan3A_43  : i32 {
          %mul3A_46 = arith.constant 16 : i32
          %mul3A_47 = arith.muli %scan3A_45, %mul3A_46 : i32
          %multiple_of3A_48 = tpu.assume_multiple %mul3A_47, 16 : i32
          %get3A = arith.index_cast %multiple_of3A_48 : i32 to index
          %get3A_49 = tpu.vector_load %arg11[%get3A] {strides = array<i32>} : memref<640xf32, #tpu.memory_space<vmem>>, vector<16xf32>,
          %add3A_50 = arith.addf %get3A_49, %gather3A_33 : vector<16xf32>
          %get3A_51 = arith.index_cast %multiple_of3A_48 : i32 to index
          %get3A_52 = tpu.vector_load %arg10[%get3A_51] {strides = array<i32>} : memref<640xf32, #tpu.memory_space<vmem>>, vector<16xf32>,
          %sub3A_53 = arith.subf %add3A_50, %get3A_52 : vector<16xf32>
          %get3A_54 = arith.index_cast %scan3A_39 : i32 to index
          %get3A_55 = arith.index_cast %multiple_of3A_48 : i32 to index
          %get3A_56 = tpu.vector_load %arg9[%get3A_54, %get3A_55] {strides = array<i32>} : memref<32x640xf32, #tpu.memory_space<vmem>>, vector<16xf32>,
          %add3A_57 = arith.addf %get3A_56, %sub3A_53 : vector<16xf32>
          %swap3A_58 = arith.index_cast %multiple_of3A_48 : i32 to index
          %swap3A_59 = tpu.vector_load %arg13[%swap3A_58] {strides = array<i32>} : memref<640xf32, #tpu.memory_space<vmem>>, vector<16xf32>,
          tpu.vector_store %arg13[%swap3A_58], %add3A_57 {strides = array<i32>} : memref<640xf32, #tpu.memory_space<vmem>>, vector<16xf32>,
        }
        %scan3A_44 = arith.constant 40 : i32
        "tpu.region"() ({
          %run_scoped3A = tpu.sem_alloc : memref<!tpu.dma_semaphore, #tpu.memory_space<semaphore_mem>>
          %dma_start3A = tpu.memref_slice %arg4[%scan3A_39, %multiple_of3A] : memref<32x10240xf32, #tpu.memory_space<hbm>> -> memref<1x640xf32, #tpu.memory_space<hbm>>
          %dma_start3A_45 = tpu.memref_squeeze %dma_start3A : memref<1x640xf32, #tpu.memory_space<hbm>> -> memref<640xf32, #tpu.memory_space<hbm>>
          %dma_start3A_46 = tpu.memref_slice %arg4[%scan3A_39, %multiple_of3A] : memref<32x10240xf32, #tpu.memory_space<hbm>> -> memref<1x640xf32, #tpu.memory_space<hbm>>
          %dma_start3A_47 = tpu.memref_squeeze %dma_start3A_46 : memref<1x640xf32, #tpu.memory_space<hbm>> -> memref<640xf32, #tpu.memory_space<hbm>>
          tpu.enqueue_dma source(%arg13 : memref<640xf32, #tpu.memory_space<vmem>>) target(%dma_start3A_47 : memref<640xf32, #tpu.memory_space<hbm>>) target_semaphore(%run_scoped3A : memref<!tpu.dma_semaphore, #tpu.memory_space<semaphore_mem>>)
          %dma_wait3A = tpu.memref_slice %arg4[%scan3A_39, %multiple_of3A] : memref<32x10240xf32, #tpu.memory_space<hbm>> -> memref<1x640xf32, #tpu.memory_space<hbm>>
          %dma_wait3A_48 = tpu.memref_squeeze %dma_wait3A : memref<1x640xf32, #tpu.memory_space<hbm>> -> memref<640xf32, #tpu.memory_space<hbm>>
          %dma_wait3A_49 = tpu.memref_slice %arg4[%scan3A_39, %multiple_of3A] : memref<32x10240xf32, #tpu.memory_space<hbm>> -> memref<1x640xf32, #tpu.memory_space<hbm>>
          %dma_wait3A_50 = tpu.memref_squeeze %dma_wait3A_49 : memref<1x640xf32, #tpu.memory_space<hbm>> -> memref<640xf32, #tpu.memory_space<hbm>>
          tpu.wait_dma2 semaphore(%run_scoped3A : memref<!tpu.dma_semaphore, #tpu.memory_space<semaphore_mem>>) src(%arg13 : memref<640xf32, #tpu.memory_space<vmem>>) dst(%dma_wait3A_50 : memref<640xf32, #tpu.memory_space<hbm>>)
          tpu.yield
        }) : () -> ()
      }
      %scan3A_38 = arith.constant 32 : i32
      "tpu.region"() ({
        %run_scoped3A = tpu.sem_alloc : memref<!tpu.dma_semaphore, #tpu.memory_space<semaphore_mem>>
        %dma_start3A = tpu.memref_slice %arg5[%multiple_of3A] : memref<10240xf32, #tpu.memory_space<hbm>> -> memref<640xf32, #tpu.memory_space<hbm>>
        %dma_start3A_39 = tpu.memref_slice %arg5[%multiple_of3A] : memref<10240xf32, #tpu.memory_space<hbm>> -> memref<640xf32, #tpu.memory_space<hbm>>
        tpu.enqueue_dma source(%arg12 : memref<640xf32, #tpu.memory_space<vmem>>) target(%dma_start3A_39 : memref<640xf32, #tpu.memory_space<hbm>>) target_semaphore(%run_scoped3A : memref<!tpu.dma_semaphore, #tpu.memory_space<semaphore_mem>>)
        %dma_wait3A = tpu.memref_slice %arg5[%multiple_of3A] : memref<10240xf32, #tpu.memory_space<hbm>> -> memref<640xf32, #tpu.memory_space<hbm>>
        %dma_wait3A_40 = tpu.memref_slice %arg5[%multiple_of3A] : memref<10240xf32, #tpu.memory_space<hbm>> -> memref<640xf32, #tpu.memory_space<hbm>>
        tpu.wait_dma2 semaphore(%run_scoped3A : memref<!tpu.dma_semaphore, #tpu.memory_space<semaphore_mem>>) src(%arg12 : memref<640xf32, #tpu.memory_space<vmem>>) dst(%dma_wait3A_40 : memref<640xf32, #tpu.memory_space<hbm>>)
        tpu.yield
      }) : () -> ()
    } else {
    }
    return
  }
}

#map = affine_map<(d0, d1) -> (0)>
#map1 = affine_map<(d0, d1) -> (0, 0)>
module attributes {stable_mosaic.version = 14 : i64} {
  func.func @k(%arg0: i32, %arg1: i32, %arg2: memref<10240xf32, #tpu.memory_space<hbm>>, %arg3: memref<10240xf32, #tpu.memory_space<hbm>>, %arg4: memref<170496xi32, #tpu.memory_space<hbm>>, %arg5: memref<170496xi32, #tpu.memory_space<hbm>>, %arg6: memref<170496xf32, #tpu.memory_space<hbm>>, %arg7: memref<32x10240xf32, #tpu.memory_space<hbm>>, %arg8: memref<32x10240xf32, #tpu.memory_space<hbm>>, %arg9: memref<170496xf32, #tpu.memory_space<hbm>>, %arg10: memref<10240xf32, #tpu.memory_space<vmem>>, %arg11: memref<10240xf32, #tpu.memory_space<vmem>>, %arg12: memref<5328xi32, #tpu.memory_space<vmem>>, %arg13: memref<5328xi32, #tpu.memory_space<vmem>>, %arg14: memref<5328xf32, #tpu.memory_space<vmem>>, %arg15: memref<5328xf32, #tpu.memory_space<vmem>>, %arg16: memref<10240xf32, #tpu.memory_space<vmem>>, %arg17: memref<10240xf32, #tpu.memory_space<vmem>>) attributes {dimension_semantics = [#tpu.dimension_semantics<core_parallel>, #tpu.dimension_semantics<subcore_parallel>], iteration_bounds = array<i64: 2, 16>, scalar_prefetch = 0 : i64, scratch_operands = 8 : i64, tpu.core_type = #tpu.core_type<sc_vector_subcore>, window_params = [{transform_indices = #map}, {transform_indices = #map}, {transform_indices = #map}, {transform_indices = #map}, {transform_indices = #map}, {transform_indices = #map1}, {transform_indices = #map1}, {transform_indices = #map}]} {
    %mul3A = arith.constant 2 : i32
    %mul3A_0 = arith.muli %arg1, %mul3A : i32
    %add3A = arith.addi %mul3A_0, %arg0 : i32
    %mul3A_1 = arith.constant 5328 : i32
    %mul3A_2 = arith.muli %add3A, %mul3A_1 : i32
    %multiple_of3A = tpu.assume_multiple %mul3A_2, 8 : i32
    "tpu.region"() ({
      %run_scoped3A = tpu.sem_alloc : memref<!tpu.dma_semaphore, #tpu.memory_space<semaphore_mem>>
      tpu.enqueue_dma source(%arg2 : memref<10240xf32, #tpu.memory_space<hbm>>) target(%arg10 : memref<10240xf32, #tpu.memory_space<vmem>>) target_semaphore(%run_scoped3A : memref<!tpu.dma_semaphore, #tpu.memory_space<semaphore_mem>>)
      tpu.wait_dma2 semaphore(%run_scoped3A : memref<!tpu.dma_semaphore, #tpu.memory_space<semaphore_mem>>) src(%arg2 : memref<10240xf32, #tpu.memory_space<hbm>>) dst(%arg10 : memref<10240xf32, #tpu.memory_space<vmem>>)
      tpu.yield
    }) : () -> ()
    "tpu.region"() ({
      %run_scoped3A = tpu.sem_alloc : memref<!tpu.dma_semaphore, #tpu.memory_space<semaphore_mem>>
      tpu.enqueue_dma source(%arg3 : memref<10240xf32, #tpu.memory_space<hbm>>) target(%arg11 : memref<10240xf32, #tpu.memory_space<vmem>>) target_semaphore(%run_scoped3A : memref<!tpu.dma_semaphore, #tpu.memory_space<semaphore_mem>>)
      tpu.wait_dma2 semaphore(%run_scoped3A : memref<!tpu.dma_semaphore, #tpu.memory_space<semaphore_mem>>) src(%arg3 : memref<10240xf32, #tpu.memory_space<hbm>>) dst(%arg11 : memref<10240xf32, #tpu.memory_space<vmem>>)
      tpu.yield
    }) : () -> ()
    "tpu.region"() ({
      %run_scoped3A = tpu.sem_alloc : memref<!tpu.dma_semaphore, #tpu.memory_space<semaphore_mem>>
      %dma_start3A = tpu.memref_slice %arg4[%multiple_of3A] : memref<170496xi32, #tpu.memory_space<hbm>> -> memref<5328xi32, #tpu.memory_space<hbm>>
      %dma_start3A_34 = tpu.memref_slice %arg4[%multiple_of3A] : memref<170496xi32, #tpu.memory_space<hbm>> -> memref<5328xi32, #tpu.memory_space<hbm>>
      tpu.enqueue_dma source(%dma_start3A_34 : memref<5328xi32, #tpu.memory_space<hbm>>) target(%arg12 : memref<5328xi32, #tpu.memory_space<vmem>>) target_semaphore(%run_scoped3A : memref<!tpu.dma_semaphore, #tpu.memory_space<semaphore_mem>>)
      %dma_wait3A = tpu.memref_slice %arg4[%multiple_of3A] : memref<170496xi32, #tpu.memory_space<hbm>> -> memref<5328xi32, #tpu.memory_space<hbm>>
      %dma_wait3A_35 = tpu.memref_slice %arg4[%multiple_of3A] : memref<170496xi32, #tpu.memory_space<hbm>> -> memref<5328xi32, #tpu.memory_space<hbm>>
      tpu.wait_dma2 semaphore(%run_scoped3A : memref<!tpu.dma_semaphore, #tpu.memory_space<semaphore_mem>>) src(%dma_wait3A_35 : memref<5328xi32, #tpu.memory_space<hbm>>) dst(%arg12 : memref<5328xi32, #tpu.memory_space<vmem>>)
      tpu.yield
    }) : () -> ()
    "tpu.region"() ({
      %run_scoped3A = tpu.sem_alloc : memref<!tpu.dma_semaphore, #tpu.memory_space<semaphore_mem>>
      %dma_start3A = tpu.memref_slice %arg5[%multiple_of3A] : memref<170496xi32, #tpu.memory_space<hbm>> -> memref<5328xi32, #tpu.memory_space<hbm>>
      %dma_start3A_34 = tpu.memref_slice %arg5[%multiple_of3A] : memref<170496xi32, #tpu.memory_space<hbm>> -> memref<5328xi32, #tpu.memory_space<hbm>>
      tpu.enqueue_dma source(%dma_start3A_34 : memref<5328xi32, #tpu.memory_space<hbm>>) target(%arg13 : memref<5328xi32, #tpu.memory_space<vmem>>) target_semaphore(%run_scoped3A : memref<!tpu.dma_semaphore, #tpu.memory_space<semaphore_mem>>)
      %dma_wait3A = tpu.memref_slice %arg5[%multiple_of3A] : memref<170496xi32, #tpu.memory_space<hbm>> -> memref<5328xi32, #tpu.memory_space<hbm>>
      %dma_wait3A_35 = tpu.memref_slice %arg5[%multiple_of3A] : memref<170496xi32, #tpu.memory_space<hbm>> -> memref<5328xi32, #tpu.memory_space<hbm>>
      tpu.wait_dma2 semaphore(%run_scoped3A : memref<!tpu.dma_semaphore, #tpu.memory_space<semaphore_mem>>) src(%dma_wait3A_35 : memref<5328xi32, #tpu.memory_space<hbm>>) dst(%arg13 : memref<5328xi32, #tpu.memory_space<vmem>>)
      tpu.yield
    }) : () -> ()
    "tpu.region"() ({
      %run_scoped3A = tpu.sem_alloc : memref<!tpu.dma_semaphore, #tpu.memory_space<semaphore_mem>>
      %dma_start3A = tpu.memref_slice %arg6[%multiple_of3A] : memref<170496xf32, #tpu.memory_space<hbm>> -> memref<5328xf32, #tpu.memory_space<hbm>>
      %dma_start3A_34 = tpu.memref_slice %arg6[%multiple_of3A] : memref<170496xf32, #tpu.memory_space<hbm>> -> memref<5328xf32, #tpu.memory_space<hbm>>
      tpu.enqueue_dma source(%dma_start3A_34 : memref<5328xf32, #tpu.memory_space<hbm>>) target(%arg14 : memref<5328xf32, #tpu.memory_space<vmem>>) target_semaphore(%run_scoped3A : memref<!tpu.dma_semaphore, #tpu.memory_space<semaphore_mem>>)
      %dma_wait3A = tpu.memref_slice %arg6[%multiple_of3A] : memref<170496xf32, #tpu.memory_space<hbm>> -> memref<5328xf32, #tpu.memory_space<hbm>>
      %dma_wait3A_35 = tpu.memref_slice %arg6[%multiple_of3A] : memref<170496xf32, #tpu.memory_space<hbm>> -> memref<5328xf32, #tpu.memory_space<hbm>>
      tpu.wait_dma2 semaphore(%run_scoped3A : memref<!tpu.dma_semaphore, #tpu.memory_space<semaphore_mem>>) src(%dma_wait3A_35 : memref<5328xf32, #tpu.memory_space<hbm>>) dst(%arg14 : memref<5328xf32, #tpu.memory_space<vmem>>)
      tpu.yield
    }) : () -> ()
    %broadcast_in_dim3A = arith.constant 0.000000e+00 : f32
    %broadcast_in_dim3A_3 = vector.broadcast %broadcast_in_dim3A : f32 to vector<16xf32>
    %scan3A = arith.constant 0 : i32
    %scan3A_4 = arith.constant 640 : i32
    %scan3A_5 = arith.addi %scan3A, %scan3A_4 : i32
    %scan3A_6 = arith.constant 4 : i32
    scf.for %scan3A_34 = %scan3A to %scan3A_5 step %scan3A_6  : i32 {
      %mul3A_35 = arith.constant 16 : i32
      %mul3A_36 = arith.muli %scan3A_34, %mul3A_35 : i32
      %multiple_of3A_37 = tpu.assume_multiple %mul3A_36, 16 : i32
      %swap3A_38 = arith.index_cast %multiple_of3A_37 : i32 to index
      %swap3A_39 = tpu.vector_load %arg16[%swap3A_38] {strides = array<i32>} : memref<10240xf32, #tpu.memory_space<vmem>>, vector<16xf32>,
      tpu.vector_store %arg16[%swap3A_38], %broadcast_in_dim3A_3 {strides = array<i32>} : memref<10240xf32, #tpu.memory_space<vmem>>, vector<16xf32>,
      %swap3A_40 = arith.index_cast %multiple_of3A_37 : i32 to index
      %swap3A_41 = tpu.vector_load %arg17[%swap3A_40] {strides = array<i32>} : memref<10240xf32, #tpu.memory_space<vmem>>, vector<16xf32>,
      tpu.vector_store %arg17[%swap3A_40], %broadcast_in_dim3A_3 {strides = array<i32>} : memref<10240xf32, #tpu.memory_space<vmem>>, vector<16xf32>,
      %scan3A_42 = arith.constant 1 : i32
      %scan3A_43 = arith.addi %scan3A_34, %scan3A_42 : i32
      %mul3A_44 = arith.constant 16 : i32
      %mul3A_45 = arith.muli %scan3A_43, %mul3A_44 : i32
      %multiple_of3A_46 = tpu.assume_multiple %mul3A_45, 16 : i32
      %swap3A_47 = arith.index_cast %multiple_of3A_46 : i32 to index
      %swap3A_48 = tpu.vector_load %arg16[%swap3A_47] {strides = array<i32>} : memref<10240xf32, #tpu.memory_space<vmem>>, vector<16xf32>,
      tpu.vector_store %arg16[%swap3A_47], %broadcast_in_dim3A_3 {strides = array<i32>} : memref<10240xf32, #tpu.memory_space<vmem>>, vector<16xf32>,
      %swap3A_49 = arith.index_cast %multiple_of3A_46 : i32 to index
      %swap3A_50 = tpu.vector_load %arg17[%swap3A_49] {strides = array<i32>} : memref<10240xf32, #tpu.memory_space<vmem>>, vector<16xf32>,
      tpu.vector_store %arg17[%swap3A_49], %broadcast_in_dim3A_3 {strides = array<i32>} : memref<10240xf32, #tpu.memory_space<vmem>>, vector<16xf32>,
      %scan3A_51 = arith.constant 2 : i32
      %scan3A_52 = arith.addi %scan3A_34, %scan3A_51 : i32
      %mul3A_53 = arith.constant 16 : i32
      %mul3A_54 = arith.muli %scan3A_52, %mul3A_53 : i32
      %multiple_of3A_55 = tpu.assume_multiple %mul3A_54, 16 : i32
      %swap3A_56 = arith.index_cast %multiple_of3A_55 : i32 to index
      %swap3A_57 = tpu.vector_load %arg16[%swap3A_56] {strides = array<i32>} : memref<10240xf32, #tpu.memory_space<vmem>>, vector<16xf32>,
      tpu.vector_store %arg16[%swap3A_56], %broadcast_in_dim3A_3 {strides = array<i32>} : memref<10240xf32, #tpu.memory_space<vmem>>, vector<16xf32>,
      %swap3A_58 = arith.index_cast %multiple_of3A_55 : i32 to index
      %swap3A_59 = tpu.vector_load %arg17[%swap3A_58] {strides = array<i32>} : memref<10240xf32, #tpu.memory_space<vmem>>, vector<16xf32>,
      tpu.vector_store %arg17[%swap3A_58], %broadcast_in_dim3A_3 {strides = array<i32>} : memref<10240xf32, #tpu.memory_space<vmem>>, vector<16xf32>,
      %scan3A_60 = arith.constant 3 : i32
      %scan3A_61 = arith.addi %scan3A_34, %scan3A_60 : i32
      %mul3A_62 = arith.constant 16 : i32
      %mul3A_63 = arith.muli %scan3A_61, %mul3A_62 : i32
      %multiple_of3A_64 = tpu.assume_multiple %mul3A_63, 16 : i32
      %swap3A_65 = arith.index_cast %multiple_of3A_64 : i32 to index
      %swap3A_66 = tpu.vector_load %arg16[%swap3A_65] {strides = array<i32>} : memref<10240xf32, #tpu.memory_space<vmem>>, vector<16xf32>,
      tpu.vector_store %arg16[%swap3A_65], %broadcast_in_dim3A_3 {strides = array<i32>} : memref<10240xf32, #tpu.memory_space<vmem>>, vector<16xf32>,
      %swap3A_67 = arith.index_cast %multiple_of3A_64 : i32 to index
      %swap3A_68 = tpu.vector_load %arg17[%swap3A_67] {strides = array<i32>} : memref<10240xf32, #tpu.memory_space<vmem>>, vector<16xf32>,
      tpu.vector_store %arg17[%swap3A_67], %broadcast_in_dim3A_3 {strides = array<i32>} : memref<10240xf32, #tpu.memory_space<vmem>>, vector<16xf32>,
    }
    %scan3A_7 = arith.constant 640 : i32
    %broadcast_in_dim3A_8 = arith.constant 1.000000e+00 : f32
    %broadcast_in_dim3A_9 = vector.broadcast %broadcast_in_dim3A_8 : f32 to vector<16xf32>
    %scan3A_10 = arith.constant 0 : i32
    %scan3A_11 = arith.constant 332 : i32
    %scan3A_12 = arith.addi %scan3A_10, %scan3A_11 : i32
    %scan3A_13 = arith.constant 2 : i32
    scf.for %scan3A_34 = %scan3A_10 to %scan3A_12 step %scan3A_13  : i32 {
      %mul3A_35 = arith.constant 16 : i32
      %mul3A_36 = arith.muli %scan3A_34, %mul3A_35 : i32
      %multiple_of3A_37 = tpu.assume_multiple %mul3A_36, 16 : i32
      %get3A_38 = arith.index_cast %multiple_of3A_37 : i32 to index
      %get3A_39 = tpu.vector_load %arg12[%get3A_38] {strides = array<i32>} : memref<5328xi32, #tpu.memory_space<vmem>>, vector<16xi32>,
      %get3A_40 = arith.index_cast %multiple_of3A_37 : i32 to index
      %get3A_41 = tpu.vector_load %arg13[%get3A_40] {strides = array<i32>} : memref<5328xi32, #tpu.memory_space<vmem>>, vector<16xi32>,
      %gather3A_42 = tpu.vector_load_idx %arg10[%get3A_41] : memref<10240xf32, #tpu.memory_space<vmem>>[vector<16xi32>], vector<16xf32>,
      %gather3A_43 = tpu.vector_load_idx %arg11[%get3A_39] : memref<10240xf32, #tpu.memory_space<vmem>>[vector<16xi32>], vector<16xf32>,
      %add3A_44 = arith.addf %gather3A_42, %gather3A_43 : vector<16xf32>
      %ge3A_45 = arith.constant 0.000000e+00 : f32
      %ge3A_46 = vector.broadcast %ge3A_45 : f32 to vector<16xf32>
      %ge3A_47 = arith.cmpf oge, %add3A_44, %ge3A_46 : vector<16xf32>
      %mul3A_48 = arith.constant 0.00999999977 : f32
      %mul3A_49 = vector.broadcast %mul3A_48 : f32 to vector<16xf32>
      %mul3A_50 = arith.mulf %mul3A_49, %add3A_44 : vector<16xf32>
      %select_n3A_51 = arith.select %ge3A_47, %add3A_44, %mul3A_50 : vector<16xi1>, vector<16xf32>
      %get3A_52 = arith.index_cast %multiple_of3A_37 : i32 to index
      %get3A_53 = tpu.vector_load %arg14[%get3A_52] {strides = array<i32>} : memref<5328xf32, #tpu.memory_space<vmem>>, vector<16xf32>,
      %add3A_54 = arith.addf %select_n3A_51, %get3A_53 : vector<16xf32>
      %exp3A_55 = math.exp %add3A_54 : vector<16xf32>
      %swap3A_56 = arith.index_cast %multiple_of3A_37 : i32 to index
      %swap3A_57 = tpu.vector_load %arg15[%swap3A_56] {strides = array<i32>} : memref<5328xf32, #tpu.memory_space<vmem>>, vector<16xf32>,
      tpu.vector_store %arg15[%swap3A_56], %exp3A_55 {strides = array<i32>} : memref<5328xf32, #tpu.memory_space<vmem>>, vector<16xf32>,
      tpu.vector_store_idx %arg16[%get3A_39], %broadcast_in_dim3A_9 {add = true} : memref<10240xf32, #tpu.memory_space<vmem>>[vector<16xi32>], vector<16xf32>,
      tpu.vector_store_idx %arg17[%get3A_39], %exp3A_55 {add = true} : memref<10240xf32, #tpu.memory_space<vmem>>[vector<16xi32>], vector<16xf32>,
      %scan3A_58 = arith.constant 1 : i32
      %scan3A_59 = arith.addi %scan3A_34, %scan3A_58 : i32
      %mul3A_60 = arith.constant 16 : i32
      %mul3A_61 = arith.muli %scan3A_59, %mul3A_60 : i32
      %multiple_of3A_62 = tpu.assume_multiple %mul3A_61, 16 : i32
      %get3A_63 = arith.index_cast %multiple_of3A_62 : i32 to index
      %get3A_64 = tpu.vector_load %arg12[%get3A_63] {strides = array<i32>} : memref<5328xi32, #tpu.memory_space<vmem>>, vector<16xi32>,
      %get3A_65 = arith.index_cast %multiple_of3A_62 : i32 to index
      %get3A_66 = tpu.vector_load %arg13[%get3A_65] {strides = array<i32>} : memref<5328xi32, #tpu.memory_space<vmem>>, vector<16xi32>,
      %gather3A_67 = tpu.vector_load_idx %arg10[%get3A_66] : memref<10240xf32, #tpu.memory_space<vmem>>[vector<16xi32>], vector<16xf32>,
      %gather3A_68 = tpu.vector_load_idx %arg11[%get3A_64] : memref<10240xf32, #tpu.memory_space<vmem>>[vector<16xi32>], vector<16xf32>,
      %add3A_69 = arith.addf %gather3A_67, %gather3A_68 : vector<16xf32>
      %ge3A_70 = arith.constant 0.000000e+00 : f32
      %ge3A_71 = vector.broadcast %ge3A_70 : f32 to vector<16xf32>
      %ge3A_72 = arith.cmpf oge, %add3A_69, %ge3A_71 : vector<16xf32>
      %mul3A_73 = arith.constant 0.00999999977 : f32
      %mul3A_74 = vector.broadcast %mul3A_73 : f32 to vector<16xf32>
      %mul3A_75 = arith.mulf %mul3A_74, %add3A_69 : vector<16xf32>
      %select_n3A_76 = arith.select %ge3A_72, %add3A_69, %mul3A_75 : vector<16xi1>, vector<16xf32>
      %get3A_77 = arith.index_cast %multiple_of3A_62 : i32 to index
      %get3A_78 = tpu.vector_load %arg14[%get3A_77] {strides = array<i32>} : memref<5328xf32, #tpu.memory_space<vmem>>, vector<16xf32>,
      %add3A_79 = arith.addf %select_n3A_76, %get3A_78 : vector<16xf32>
      %exp3A_80 = math.exp %add3A_79 : vector<16xf32>
      %swap3A_81 = arith.index_cast %multiple_of3A_62 : i32 to index
      %swap3A_82 = tpu.vector_load %arg15[%swap3A_81] {strides = array<i32>} : memref<5328xf32, #tpu.memory_space<vmem>>, vector<16xf32>,
      tpu.vector_store %arg15[%swap3A_81], %exp3A_80 {strides = array<i32>} : memref<5328xf32, #tpu.memory_space<vmem>>, vector<16xf32>,
      tpu.vector_store_idx %arg16[%get3A_64], %broadcast_in_dim3A_9 {add = true} : memref<10240xf32, #tpu.memory_space<vmem>>[vector<16xi32>], vector<16xf32>,
      tpu.vector_store_idx %arg17[%get3A_64], %exp3A_80 {add = true} : memref<10240xf32, #tpu.memory_space<vmem>>[vector<16xi32>], vector<16xf32>,
    }
    %scan3A_14 = arith.constant 332 : i32
    %scan3A_15 = arith.addi %scan3A_10, %scan3A_14 : i32
    %mul3A_16 = arith.constant 16 : i32
    %mul3A_17 = arith.muli %scan3A_15, %mul3A_16 : i32
    %multiple_of3A_18 = tpu.assume_multiple %mul3A_17, 16 : i32
    %get3A = arith.index_cast %multiple_of3A_18 : i32 to index
    %get3A_19 = tpu.vector_load %arg12[%get3A] {strides = array<i32>} : memref<5328xi32, #tpu.memory_space<vmem>>, vector<16xi32>,
    %get3A_20 = arith.index_cast %multiple_of3A_18 : i32 to index
    %get3A_21 = tpu.vector_load %arg13[%get3A_20] {strides = array<i32>} : memref<5328xi32, #tpu.memory_space<vmem>>, vector<16xi32>,
    %gather3A = tpu.vector_load_idx %arg10[%get3A_21] : memref<10240xf32, #tpu.memory_space<vmem>>[vector<16xi32>], vector<16xf32>,
    %gather3A_22 = tpu.vector_load_idx %arg11[%get3A_19] : memref<10240xf32, #tpu.memory_space<vmem>>[vector<16xi32>], vector<16xf32>,
    %add3A_23 = arith.addf %gather3A, %gather3A_22 : vector<16xf32>
    %ge3A = arith.constant 0.000000e+00 : f32
    %ge3A_24 = vector.broadcast %ge3A : f32 to vector<16xf32>
    %ge3A_25 = arith.cmpf oge, %add3A_23, %ge3A_24 : vector<16xf32>
    %mul3A_26 = arith.constant 0.00999999977 : f32
    %mul3A_27 = vector.broadcast %mul3A_26 : f32 to vector<16xf32>
    %mul3A_28 = arith.mulf %mul3A_27, %add3A_23 : vector<16xf32>
    %select_n3A = arith.select %ge3A_25, %add3A_23, %mul3A_28 : vector<16xi1>, vector<16xf32>
    %get3A_29 = arith.index_cast %multiple_of3A_18 : i32 to index
    %get3A_30 = tpu.vector_load %arg14[%get3A_29] {strides = array<i32>} : memref<5328xf32, #tpu.memory_space<vmem>>, vector<16xf32>,
    %add3A_31 = arith.addf %select_n3A, %get3A_30 : vector<16xf32>
    %exp3A = math.exp %add3A_31 : vector<16xf32>
    %swap3A = arith.index_cast %multiple_of3A_18 : i32 to index
    %swap3A_32 = tpu.vector_load %arg15[%swap3A] {strides = array<i32>} : memref<5328xf32, #tpu.memory_space<vmem>>, vector<16xf32>,
    tpu.vector_store %arg15[%swap3A], %exp3A {strides = array<i32>} : memref<5328xf32, #tpu.memory_space<vmem>>, vector<16xf32>,
    tpu.vector_store_idx %arg16[%get3A_19], %broadcast_in_dim3A_9 {add = true} : memref<10240xf32, #tpu.memory_space<vmem>>[vector<16xi32>], vector<16xf32>,
    tpu.vector_store_idx %arg17[%get3A_19], %exp3A {add = true} : memref<10240xf32, #tpu.memory_space<vmem>>[vector<16xi32>], vector<16xf32>,
    %scan3A_33 = arith.constant 333 : i32
    "tpu.region"() ({
      %run_scoped3A = tpu.sem_alloc : memref<!tpu.dma_semaphore, #tpu.memory_space<semaphore_mem>>
      %dma_start3A = arith.constant 0 : i32
      %dma_start3A_34 = tpu.memref_slice %arg7[%add3A, %dma_start3A] : memref<32x10240xf32, #tpu.memory_space<hbm>> -> memref<1x10240xf32, #tpu.memory_space<hbm>>
      %dma_start3A_35 = tpu.memref_squeeze %dma_start3A_34 : memref<1x10240xf32, #tpu.memory_space<hbm>> -> memref<10240xf32, #tpu.memory_space<hbm>>
      %dma_start3A_36 = arith.constant 0 : i32
      %dma_start3A_37 = tpu.memref_slice %arg7[%add3A, %dma_start3A_36] : memref<32x10240xf32, #tpu.memory_space<hbm>> -> memref<1x10240xf32, #tpu.memory_space<hbm>>
      %dma_start3A_38 = tpu.memref_squeeze %dma_start3A_37 : memref<1x10240xf32, #tpu.memory_space<hbm>> -> memref<10240xf32, #tpu.memory_space<hbm>>
      tpu.enqueue_dma source(%arg16 : memref<10240xf32, #tpu.memory_space<vmem>>) target(%dma_start3A_38 : memref<10240xf32, #tpu.memory_space<hbm>>) target_semaphore(%run_scoped3A : memref<!tpu.dma_semaphore, #tpu.memory_space<semaphore_mem>>)
      %dma_wait3A = arith.constant 0 : i32
      %dma_wait3A_39 = tpu.memref_slice %arg7[%add3A, %dma_wait3A] : memref<32x10240xf32, #tpu.memory_space<hbm>> -> memref<1x10240xf32, #tpu.memory_space<hbm>>
      %dma_wait3A_40 = tpu.memref_squeeze %dma_wait3A_39 : memref<1x10240xf32, #tpu.memory_space<hbm>> -> memref<10240xf32, #tpu.memory_space<hbm>>
      %dma_wait3A_41 = arith.constant 0 : i32
      %dma_wait3A_42 = tpu.memref_slice %arg7[%add3A, %dma_wait3A_41] : memref<32x10240xf32, #tpu.memory_space<hbm>> -> memref<1x10240xf32, #tpu.memory_space<hbm>>
      %dma_wait3A_43 = tpu.memref_squeeze %dma_wait3A_42 : memref<1x10240xf32, #tpu.memory_space<hbm>> -> memref<10240xf32, #tpu.memory_space<hbm>>
      tpu.wait_dma2 semaphore(%run_scoped3A : memref<!tpu.dma_semaphore, #tpu.memory_space<semaphore_mem>>) src(%arg16 : memref<10240xf32, #tpu.memory_space<vmem>>) dst(%dma_wait3A_43 : memref<10240xf32, #tpu.memory_space<hbm>>)
      tpu.yield
    }) : () -> ()
    "tpu.region"() ({
      %run_scoped3A = tpu.sem_alloc : memref<!tpu.dma_semaphore, #tpu.memory_space<semaphore_mem>>
      %dma_start3A = arith.constant 0 : i32
      %dma_start3A_34 = tpu.memref_slice %arg8[%add3A, %dma_start3A] : memref<32x10240xf32, #tpu.memory_space<hbm>> -> memref<1x10240xf32, #tpu.memory_space<hbm>>
      %dma_start3A_35 = tpu.memref_squeeze %dma_start3A_34 : memref<1x10240xf32, #tpu.memory_space<hbm>> -> memref<10240xf32, #tpu.memory_space<hbm>>
      %dma_start3A_36 = arith.constant 0 : i32
      %dma_start3A_37 = tpu.memref_slice %arg8[%add3A, %dma_start3A_36] : memref<32x10240xf32, #tpu.memory_space<hbm>> -> memref<1x10240xf32, #tpu.memory_space<hbm>>
      %dma_start3A_38 = tpu.memref_squeeze %dma_start3A_37 : memref<1x10240xf32, #tpu.memory_space<hbm>> -> memref<10240xf32, #tpu.memory_space<hbm>>
      tpu.enqueue_dma source(%arg17 : memref<10240xf32, #tpu.memory_space<vmem>>) target(%dma_start3A_38 : memref<10240xf32, #tpu.memory_space<hbm>>) target_semaphore(%run_scoped3A : memref<!tpu.dma_semaphore, #tpu.memory_space<semaphore_mem>>)
      %dma_wait3A = arith.constant 0 : i32
      %dma_wait3A_39 = tpu.memref_slice %arg8[%add3A, %dma_wait3A] : memref<32x10240xf32, #tpu.memory_space<hbm>> -> memref<1x10240xf32, #tpu.memory_space<hbm>>
      %dma_wait3A_40 = tpu.memref_squeeze %dma_wait3A_39 : memref<1x10240xf32, #tpu.memory_space<hbm>> -> memref<10240xf32, #tpu.memory_space<hbm>>
      %dma_wait3A_41 = arith.constant 0 : i32
      %dma_wait3A_42 = tpu.memref_slice %arg8[%add3A, %dma_wait3A_41] : memref<32x10240xf32, #tpu.memory_space<hbm>> -> memref<1x10240xf32, #tpu.memory_space<hbm>>
      %dma_wait3A_43 = tpu.memref_squeeze %dma_wait3A_42 : memref<1x10240xf32, #tpu.memory_space<hbm>> -> memref<10240xf32, #tpu.memory_space<hbm>>
      tpu.wait_dma2 semaphore(%run_scoped3A : memref<!tpu.dma_semaphore, #tpu.memory_space<semaphore_mem>>) src(%arg17 : memref<10240xf32, #tpu.memory_space<vmem>>) dst(%dma_wait3A_43 : memref<10240xf32, #tpu.memory_space<hbm>>)
      tpu.yield
    }) : () -> ()
    "tpu.region"() ({
      %run_scoped3A = tpu.sem_alloc : memref<!tpu.dma_semaphore, #tpu.memory_space<semaphore_mem>>
      %dma_start3A = tpu.memref_slice %arg9[%multiple_of3A] : memref<170496xf32, #tpu.memory_space<hbm>> -> memref<5328xf32, #tpu.memory_space<hbm>>
      %dma_start3A_34 = tpu.memref_slice %arg9[%multiple_of3A] : memref<170496xf32, #tpu.memory_space<hbm>> -> memref<5328xf32, #tpu.memory_space<hbm>>
      tpu.enqueue_dma source(%arg15 : memref<5328xf32, #tpu.memory_space<vmem>>) target(%dma_start3A_34 : memref<5328xf32, #tpu.memory_space<hbm>>) target_semaphore(%run_scoped3A : memref<!tpu.dma_semaphore, #tpu.memory_space<semaphore_mem>>)
      %dma_wait3A = tpu.memref_slice %arg9[%multiple_of3A] : memref<170496xf32, #tpu.memory_space<hbm>> -> memref<5328xf32, #tpu.memory_space<hbm>>
      %dma_wait3A_35 = tpu.memref_slice %arg9[%multiple_of3A] : memref<170496xf32, #tpu.memory_space<hbm>> -> memref<5328xf32, #tpu.memory_space<hbm>>
      tpu.wait_dma2 semaphore(%run_scoped3A : memref<!tpu.dma_semaphore, #tpu.memory_space<semaphore_mem>>) src(%arg15 : memref<5328xf32, #tpu.memory_space<vmem>>) dst(%dma_wait3A_35 : memref<5328xf32, #tpu.memory_space<hbm>>)
      tpu.yield
    }) : () -> ()
    return
  }
}

#map = affine_map<(d0, d1) -> (0, 0)>
#map1 = affine_map<(d0, d1) -> (0)>
module attributes {stable_mosaic.version = 14 : i64} {
  func.func @k(%arg0: i32, %arg1: i32, %arg2: memref<32x10240xf32, #tpu.memory_space<hbm>>, %arg3: memref<10240xf32, #tpu.memory_space<hbm>>, %arg4: memref<170496xi32, #tpu.memory_space<hbm>>, %arg5: memref<170496xi32, #tpu.memory_space<hbm>>, %arg6: memref<170496xf32, #tpu.memory_space<hbm>>, %arg7: memref<170496xf32, #tpu.memory_space<hbm>>, %arg8: memref<170496xf32, #tpu.memory_space<hbm>>, %arg9: memref<170496xf32, #tpu.memory_space<hbm>>, %arg10: memref<16xf32, #tpu.memory_space<hbm>>, %arg11: memref<170496xi32, #tpu.memory_space<hbm>>, %arg12: memref<170496xi32, #tpu.memory_space<hbm>>, %arg13: memref<170496xf32, #tpu.memory_space<hbm>>, %arg14: memref<170496xf32, #tpu.memory_space<hbm>>, %arg15: memref<170496xf32, #tpu.memory_space<hbm>>, %arg16: memref<10240xf32, #tpu.memory_space<hbm>>, %arg17: memref<10240xf32, #tpu.memory_space<vmem>>, %arg18: memref<10240xf32, #tpu.memory_space<vmem>>, %arg19: memref<5328xi32, #tpu.memory_space<vmem>>, %arg20: memref<5328xi32, #tpu.memory_space<vmem>>, %arg21: memref<5328xf32, #tpu.memory_space<vmem>>, %arg22: memref<5328xf32, #tpu.memory_space<vmem>>, %arg23: memref<5328xf32, #tpu.memory_space<vmem>>, %arg24: memref<5328xi32, #tpu.memory_space<vmem>>, %arg25: memref<5328xf32, #tpu.memory_space<vmem>>, %arg26: memref<5328xf32, #tpu.memory_space<vmem>>, %arg27: memref<5328xf32, #tpu.memory_space<vmem>>, %arg28: memref<5328xf32, #tpu.memory_space<vmem>>, %arg29: memref<5328xf32, #tpu.memory_space<vmem>>, %arg30: memref<5328xi32, #tpu.memory_space<vmem>>, %arg31: memref<16xf32, #tpu.memory_space<vmem>>, %arg32: memref<!tpu.dma_semaphore, #tpu.memory_space<semaphore_mem>>) attributes {dimension_semantics = [#tpu.dimension_semantics<core_parallel>, #tpu.dimension_semantics<subcore_parallel>], iteration_bounds = array<i64: 2, 16>, scalar_prefetch = 0 : i64, scratch_operands = 16 : i64, tpu.core_type = #tpu.core_type<sc_vector_subcore>, window_params = [{transform_indices = #map}, {transform_indices = #map1}, {transform_indices = #map1}, {transform_indices = #map1}, {transform_indices = #map1}, {transform_indices = #map1}, {transform_indices = #map1}, {transform_indices = #map1}, {transform_indices = #map1}, {transform_indices = #map1}, {transform_indices = #map1}, {transform_indices = #map1}, {transform_indices = #map1}, {transform_indices = #map1}, {transform_indices = #map1}]} {
    %mul3A = arith.constant 2 : i32
    %mul3A_0 = arith.muli %arg1, %mul3A : i32
    %add3A = arith.addi %mul3A_0, %arg0 : i32
    %mul3A_1 = arith.constant 5328 : i32
    %mul3A_2 = arith.muli %add3A, %mul3A_1 : i32
    %multiple_of3A = tpu.assume_multiple %mul3A_2, 8 : i32
    "tpu.region"() ({
      %run_scoped3A = tpu.sem_alloc : memref<!tpu.dma_semaphore, #tpu.memory_space<semaphore_mem>>
      %dma_start3A_96 = arith.constant 0 : i32
      %dma_start3A_97 = tpu.memref_slice %arg2[%add3A, %dma_start3A_96] : memref<32x10240xf32, #tpu.memory_space<hbm>> -> memref<1x10240xf32, #tpu.memory_space<hbm>>
      %dma_start3A_98 = tpu.memref_squeeze %dma_start3A_97 : memref<1x10240xf32, #tpu.memory_space<hbm>> -> memref<10240xf32, #tpu.memory_space<hbm>>
      %dma_start3A_99 = arith.constant 0 : i32
      %dma_start3A_100 = tpu.memref_slice %arg2[%add3A, %dma_start3A_99] : memref<32x10240xf32, #tpu.memory_space<hbm>> -> memref<1x10240xf32, #tpu.memory_space<hbm>>
      %dma_start3A_101 = tpu.memref_squeeze %dma_start3A_100 : memref<1x10240xf32, #tpu.memory_space<hbm>> -> memref<10240xf32, #tpu.memory_space<hbm>>
      tpu.enqueue_dma source(%dma_start3A_101 : memref<10240xf32, #tpu.memory_space<hbm>>) target(%arg17 : memref<10240xf32, #tpu.memory_space<vmem>>) target_semaphore(%run_scoped3A : memref<!tpu.dma_semaphore, #tpu.memory_space<semaphore_mem>>)
      %dma_wait3A_102 = arith.constant 0 : i32
      %dma_wait3A_103 = tpu.memref_slice %arg2[%add3A, %dma_wait3A_102] : memref<32x10240xf32, #tpu.memory_space<hbm>> -> memref<1x10240xf32, #tpu.memory_space<hbm>>
      %dma_wait3A_104 = tpu.memref_squeeze %dma_wait3A_103 : memref<1x10240xf32, #tpu.memory_space<hbm>> -> memref<10240xf32, #tpu.memory_space<hbm>>
      %dma_wait3A_105 = arith.constant 0 : i32
      %dma_wait3A_106 = tpu.memref_slice %arg2[%add3A, %dma_wait3A_105] : memref<32x10240xf32, #tpu.memory_space<hbm>> -> memref<1x10240xf32, #tpu.memory_space<hbm>>
      %dma_wait3A_107 = tpu.memref_squeeze %dma_wait3A_106 : memref<1x10240xf32, #tpu.memory_space<hbm>> -> memref<10240xf32, #tpu.memory_space<hbm>>
      tpu.wait_dma2 semaphore(%run_scoped3A : memref<!tpu.dma_semaphore, #tpu.memory_space<semaphore_mem>>) src(%dma_wait3A_107 : memref<10240xf32, #tpu.memory_space<hbm>>) dst(%arg17 : memref<10240xf32, #tpu.memory_space<vmem>>)
      tpu.yield
    }) : () -> ()
    "tpu.region"() ({
      %run_scoped3A = tpu.sem_alloc : memref<!tpu.dma_semaphore, #tpu.memory_space<semaphore_mem>>
      tpu.enqueue_dma source(%arg3 : memref<10240xf32, #tpu.memory_space<hbm>>) target(%arg18 : memref<10240xf32, #tpu.memory_space<vmem>>) target_semaphore(%run_scoped3A : memref<!tpu.dma_semaphore, #tpu.memory_space<semaphore_mem>>)
      tpu.wait_dma2 semaphore(%run_scoped3A : memref<!tpu.dma_semaphore, #tpu.memory_space<semaphore_mem>>) src(%arg3 : memref<10240xf32, #tpu.memory_space<hbm>>) dst(%arg18 : memref<10240xf32, #tpu.memory_space<vmem>>)
      tpu.yield
    }) : () -> ()
    "tpu.region"() ({
      %run_scoped3A = tpu.sem_alloc : memref<!tpu.dma_semaphore, #tpu.memory_space<semaphore_mem>>
      %dma_start3A_96 = tpu.memref_slice %arg4[%multiple_of3A] : memref<170496xi32, #tpu.memory_space<hbm>> -> memref<5328xi32, #tpu.memory_space<hbm>>
      %dma_start3A_97 = tpu.memref_slice %arg4[%multiple_of3A] : memref<170496xi32, #tpu.memory_space<hbm>> -> memref<5328xi32, #tpu.memory_space<hbm>>
      tpu.enqueue_dma source(%dma_start3A_97 : memref<5328xi32, #tpu.memory_space<hbm>>) target(%arg19 : memref<5328xi32, #tpu.memory_space<vmem>>) target_semaphore(%run_scoped3A : memref<!tpu.dma_semaphore, #tpu.memory_space<semaphore_mem>>)
      %dma_wait3A_98 = tpu.memref_slice %arg4[%multiple_of3A] : memref<170496xi32, #tpu.memory_space<hbm>> -> memref<5328xi32, #tpu.memory_space<hbm>>
      %dma_wait3A_99 = tpu.memref_slice %arg4[%multiple_of3A] : memref<170496xi32, #tpu.memory_space<hbm>> -> memref<5328xi32, #tpu.memory_space<hbm>>
      tpu.wait_dma2 semaphore(%run_scoped3A : memref<!tpu.dma_semaphore, #tpu.memory_space<semaphore_mem>>) src(%dma_wait3A_99 : memref<5328xi32, #tpu.memory_space<hbm>>) dst(%arg19 : memref<5328xi32, #tpu.memory_space<vmem>>)
      tpu.yield
    }) : () -> ()
    "tpu.region"() ({
      %run_scoped3A = tpu.sem_alloc : memref<!tpu.dma_semaphore, #tpu.memory_space<semaphore_mem>>
      %dma_start3A_96 = tpu.memref_slice %arg5[%multiple_of3A] : memref<170496xi32, #tpu.memory_space<hbm>> -> memref<5328xi32, #tpu.memory_space<hbm>>
      %dma_start3A_97 = tpu.memref_slice %arg5[%multiple_of3A] : memref<170496xi32, #tpu.memory_space<hbm>> -> memref<5328xi32, #tpu.memory_space<hbm>>
      tpu.enqueue_dma source(%dma_start3A_97 : memref<5328xi32, #tpu.memory_space<hbm>>) target(%arg20 : memref<5328xi32, #tpu.memory_space<vmem>>) target_semaphore(%run_scoped3A : memref<!tpu.dma_semaphore, #tpu.memory_space<semaphore_mem>>)
      %dma_wait3A_98 = tpu.memref_slice %arg5[%multiple_of3A] : memref<170496xi32, #tpu.memory_space<hbm>> -> memref<5328xi32, #tpu.memory_space<hbm>>
      %dma_wait3A_99 = tpu.memref_slice %arg5[%multiple_of3A] : memref<170496xi32, #tpu.memory_space<hbm>> -> memref<5328xi32, #tpu.memory_space<hbm>>
      tpu.wait_dma2 semaphore(%run_scoped3A : memref<!tpu.dma_semaphore, #tpu.memory_space<semaphore_mem>>) src(%dma_wait3A_99 : memref<5328xi32, #tpu.memory_space<hbm>>) dst(%arg20 : memref<5328xi32, #tpu.memory_space<vmem>>)
      tpu.yield
    }) : () -> ()
    "tpu.region"() ({
      %run_scoped3A = tpu.sem_alloc : memref<!tpu.dma_semaphore, #tpu.memory_space<semaphore_mem>>
      %dma_start3A_96 = tpu.memref_slice %arg6[%multiple_of3A] : memref<170496xf32, #tpu.memory_space<hbm>> -> memref<5328xf32, #tpu.memory_space<hbm>>
      %dma_start3A_97 = tpu.memref_slice %arg6[%multiple_of3A] : memref<170496xf32, #tpu.memory_space<hbm>> -> memref<5328xf32, #tpu.memory_space<hbm>>
      tpu.enqueue_dma source(%dma_start3A_97 : memref<5328xf32, #tpu.memory_space<hbm>>) target(%arg21 : memref<5328xf32, #tpu.memory_space<vmem>>) target_semaphore(%run_scoped3A : memref<!tpu.dma_semaphore, #tpu.memory_space<semaphore_mem>>)
      %dma_wait3A_98 = tpu.memref_slice %arg6[%multiple_of3A] : memref<170496xf32, #tpu.memory_space<hbm>> -> memref<5328xf32, #tpu.memory_space<hbm>>
      %dma_wait3A_99 = tpu.memref_slice %arg6[%multiple_of3A] : memref<170496xf32, #tpu.memory_space<hbm>> -> memref<5328xf32, #tpu.memory_space<hbm>>
      tpu.wait_dma2 semaphore(%run_scoped3A : memref<!tpu.dma_semaphore, #tpu.memory_space<semaphore_mem>>) src(%dma_wait3A_99 : memref<5328xf32, #tpu.memory_space<hbm>>) dst(%arg21 : memref<5328xf32, #tpu.memory_space<vmem>>)
      tpu.yield
    }) : () -> ()
    "tpu.region"() ({
      %run_scoped3A = tpu.sem_alloc : memref<!tpu.dma_semaphore, #tpu.memory_space<semaphore_mem>>
      %dma_start3A_96 = tpu.memref_slice %arg7[%multiple_of3A] : memref<170496xf32, #tpu.memory_space<hbm>> -> memref<5328xf32, #tpu.memory_space<hbm>>
      %dma_start3A_97 = tpu.memref_slice %arg7[%multiple_of3A] : memref<170496xf32, #tpu.memory_space<hbm>> -> memref<5328xf32, #tpu.memory_space<hbm>>
      tpu.enqueue_dma source(%dma_start3A_97 : memref<5328xf32, #tpu.memory_space<hbm>>) target(%arg22 : memref<5328xf32, #tpu.memory_space<vmem>>) target_semaphore(%run_scoped3A : memref<!tpu.dma_semaphore, #tpu.memory_space<semaphore_mem>>)
      %dma_wait3A_98 = tpu.memref_slice %arg7[%multiple_of3A] : memref<170496xf32, #tpu.memory_space<hbm>> -> memref<5328xf32, #tpu.memory_space<hbm>>
      %dma_wait3A_99 = tpu.memref_slice %arg7[%multiple_of3A] : memref<170496xf32, #tpu.memory_space<hbm>> -> memref<5328xf32, #tpu.memory_space<hbm>>
      tpu.wait_dma2 semaphore(%run_scoped3A : memref<!tpu.dma_semaphore, #tpu.memory_space<semaphore_mem>>) src(%dma_wait3A_99 : memref<5328xf32, #tpu.memory_space<hbm>>) dst(%arg22 : memref<5328xf32, #tpu.memory_space<vmem>>)
      tpu.yield
    }) : () -> ()
    "tpu.region"() ({
      %run_scoped3A = tpu.sem_alloc : memref<!tpu.dma_semaphore, #tpu.memory_space<semaphore_mem>>
      %dma_start3A_96 = tpu.memref_slice %arg8[%multiple_of3A] : memref<170496xf32, #tpu.memory_space<hbm>> -> memref<5328xf32, #tpu.memory_space<hbm>>
      %dma_start3A_97 = tpu.memref_slice %arg8[%multiple_of3A] : memref<170496xf32, #tpu.memory_space<hbm>> -> memref<5328xf32, #tpu.memory_space<hbm>>
      tpu.enqueue_dma source(%dma_start3A_97 : memref<5328xf32, #tpu.memory_space<hbm>>) target(%arg23 : memref<5328xf32, #tpu.memory_space<vmem>>) target_semaphore(%run_scoped3A : memref<!tpu.dma_semaphore, #tpu.memory_space<semaphore_mem>>)
      %dma_wait3A_98 = tpu.memref_slice %arg8[%multiple_of3A] : memref<170496xf32, #tpu.memory_space<hbm>> -> memref<5328xf32, #tpu.memory_space<hbm>>
      %dma_wait3A_99 = tpu.memref_slice %arg8[%multiple_of3A] : memref<170496xf32, #tpu.memory_space<hbm>> -> memref<5328xf32, #tpu.memory_space<hbm>>
      tpu.wait_dma2 semaphore(%run_scoped3A : memref<!tpu.dma_semaphore, #tpu.memory_space<semaphore_mem>>) src(%dma_wait3A_99 : memref<5328xf32, #tpu.memory_space<hbm>>) dst(%arg23 : memref<5328xf32, #tpu.memory_space<vmem>>)
      tpu.yield
    }) : () -> ()
    "tpu.region"() ({
      %run_scoped3A = tpu.sem_alloc : memref<!tpu.dma_semaphore, #tpu.memory_space<semaphore_mem>>
      tpu.enqueue_dma source(%arg10 : memref<16xf32, #tpu.memory_space<hbm>>) target(%arg31 : memref<16xf32, #tpu.memory_space<vmem>>) target_semaphore(%run_scoped3A : memref<!tpu.dma_semaphore, #tpu.memory_space<semaphore_mem>>)
      tpu.wait_dma2 semaphore(%run_scoped3A : memref<!tpu.dma_semaphore, #tpu.memory_space<semaphore_mem>>) src(%arg10 : memref<16xf32, #tpu.memory_space<hbm>>) dst(%arg31 : memref<16xf32, #tpu.memory_space<vmem>>)
      tpu.yield
    }) : () -> ()
    %scan3A = arith.constant 0 : i32
    %scan3A_3 = arith.constant 332 : i32
    %scan3A_4 = arith.addi %scan3A, %scan3A_3 : i32
    %scan3A_5 = arith.constant 2 : i32
    scf.for %scan3A_96 = %scan3A to %scan3A_4 step %scan3A_5  : i32 {
      %mul3A_97 = arith.constant 16 : i32
      %mul3A_98 = arith.muli %scan3A_96, %mul3A_97 : i32
      %multiple_of3A_99 = tpu.assume_multiple %mul3A_98, 16 : i32
      %get3A_100 = arith.index_cast %multiple_of3A_99 : i32 to index
      %get3A_101 = tpu.vector_load %arg19[%get3A_100] {strides = array<i32>} : memref<5328xi32, #tpu.memory_space<vmem>>, vector<16xi32>,
      %gather3A_102 = tpu.vector_load_idx %arg17[%get3A_101] : memref<10240xf32, #tpu.memory_space<vmem>>[vector<16xi32>], vector<16xf32>,
      %broadcast_in_dim3A_103 = arith.constant true
      %broadcast_in_dim3A_104 = vector.broadcast %broadcast_in_dim3A_103 : i1 to vector<16xi1>
      %unique3A_105, %unique3A_106 = tpu.scan_count mask(%broadcast_in_dim3A_104 : vector<16xi1>) value(%get3A_101 : vector<16xi32>) : vector<16xi1>, vector<16xi32>
      %convert_element_type3A_107 = arith.sitofp %unique3A_106 : vector<16xi32> to vector<16xf32>
      %add3A_108 = arith.addf %gather3A_102, %convert_element_type3A_107 : vector<16xf32>
      tpu.vector_store_idx %arg17[%get3A_101], %add3A_108 masked %unique3A_105 : memref<10240xf32, #tpu.memory_space<vmem>>[vector<16xi32>], vector<16xf32>, vector<16xi1>
      %add3A_109 = arith.addf %gather3A_102, %convert_element_type3A_107 : vector<16xf32>
      %sub3A_110 = arith.constant 1.000000e+00 : f32
      %sub3A_111 = vector.broadcast %sub3A_110 : f32 to vector<16xf32>
      %sub3A_112 = arith.subf %add3A_109, %sub3A_111 : vector<16xf32>
      %convert_element_type3A_113 = arith.fptosi %sub3A_112 : vector<16xf32> to vector<16xi32>
      %swap3A_114 = arith.index_cast %multiple_of3A_99 : i32 to index
      %swap3A_115 = tpu.vector_load %arg24[%swap3A_114] {strides = array<i32>} : memref<5328xi32, #tpu.memory_space<vmem>>, vector<16xi32>,
      tpu.vector_store %arg24[%swap3A_114], %convert_element_type3A_113 {strides = array<i32>} : memref<5328xi32, #tpu.memory_space<vmem>>, vector<16xi32>,
      %gather3A_116 = tpu.vector_load_idx %arg18[%get3A_101] : memref<10240xf32, #tpu.memory_space<vmem>>[vector<16xi32>], vector<16xf32>,
      %get3A_117 = arith.index_cast %multiple_of3A_99 : i32 to index
      %get3A_118 = tpu.vector_load %arg23[%get3A_117] {strides = array<i32>} : memref<5328xf32, #tpu.memory_space<vmem>>, vector<16xf32>,
      %add3A_119 = arith.constant 1.000000e-16 : f32
      %add3A_120 = vector.broadcast %add3A_119 : f32 to vector<16xf32>
      %add3A_121 = arith.addf %gather3A_116, %add3A_120 : vector<16xf32>
      %div3A_122 = arith.divf %get3A_118, %add3A_121 : vector<16xf32>
      %max3A_123 = arith.constant 9.99999997E-7 : f32
      %max3A_124 = vector.broadcast %max3A_123 : f32 to vector<16xf32>
      %max3A_125 = arith.maximumf %div3A_122, %max3A_124 : vector<16xf32>
      %min3A_126 = arith.constant 0.999998986 : f32
      %min3A_127 = vector.broadcast %min3A_126 : f32 to vector<16xf32>
      %min3A_128 = arith.minimumf %max3A_125, %min3A_127 : vector<16xf32>
      %swap3A_129 = arith.index_cast %multiple_of3A_99 : i32 to index
      %swap3A_130 = tpu.vector_load %arg25[%swap3A_129] {strides = array<i32>} : memref<5328xf32, #tpu.memory_space<vmem>>, vector<16xf32>,
      tpu.vector_store %arg25[%swap3A_129], %min3A_128 {strides = array<i32>} : memref<5328xf32, #tpu.memory_space<vmem>>, vector<16xf32>,
      %scan3A_131 = arith.constant 1 : i32
      %scan3A_132 = arith.addi %scan3A_96, %scan3A_131 : i32
      %mul3A_133 = arith.constant 16 : i32
      %mul3A_134 = arith.muli %scan3A_132, %mul3A_133 : i32
      %multiple_of3A_135 = tpu.assume_multiple %mul3A_134, 16 : i32
      %get3A_136 = arith.index_cast %multiple_of3A_135 : i32 to index
      %get3A_137 = tpu.vector_load %arg19[%get3A_136] {strides = array<i32>} : memref<5328xi32, #tpu.memory_space<vmem>>, vector<16xi32>,
      %gather3A_138 = tpu.vector_load_idx %arg17[%get3A_137] : memref<10240xf32, #tpu.memory_space<vmem>>[vector<16xi32>], vector<16xf32>,
      %broadcast_in_dim3A_139 = arith.constant true
      %broadcast_in_dim3A_140 = vector.broadcast %broadcast_in_dim3A_139 : i1 to vector<16xi1>
      %unique3A_141, %unique3A_142 = tpu.scan_count mask(%broadcast_in_dim3A_140 : vector<16xi1>) value(%get3A_137 : vector<16xi32>) : vector<16xi1>, vector<16xi32>
      %convert_element_type3A_143 = arith.sitofp %unique3A_142 : vector<16xi32> to vector<16xf32>
      %add3A_144 = arith.addf %gather3A_138, %convert_element_type3A_143 : vector<16xf32>
      tpu.vector_store_idx %arg17[%get3A_137], %add3A_144 masked %unique3A_141 : memref<10240xf32, #tpu.memory_space<vmem>>[vector<16xi32>], vector<16xf32>, vector<16xi1>
      %add3A_145 = arith.addf %gather3A_138, %convert_element_type3A_143 : vector<16xf32>
      %sub3A_146 = arith.constant 1.000000e+00 : f32
      %sub3A_147 = vector.broadcast %sub3A_146 : f32 to vector<16xf32>
      %sub3A_148 = arith.subf %add3A_145, %sub3A_147 : vector<16xf32>
      %convert_element_type3A_149 = arith.fptosi %sub3A_148 : vector<16xf32> to vector<16xi32>
      %swap3A_150 = arith.index_cast %multiple_of3A_135 : i32 to index
      %swap3A_151 = tpu.vector_load %arg24[%swap3A_150] {strides = array<i32>} : memref<5328xi32, #tpu.memory_space<vmem>>, vector<16xi32>,
      tpu.vector_store %arg24[%swap3A_150], %convert_element_type3A_149 {strides = array<i32>} : memref<5328xi32, #tpu.memory_space<vmem>>, vector<16xi32>,
      %gather3A_152 = tpu.vector_load_idx %arg18[%get3A_137] : memref<10240xf32, #tpu.memory_space<vmem>>[vector<16xi32>], vector<16xf32>,
      %get3A_153 = arith.index_cast %multiple_of3A_135 : i32 to index
      %get3A_154 = tpu.vector_load %arg23[%get3A_153] {strides = array<i32>} : memref<5328xf32, #tpu.memory_space<vmem>>, vector<16xf32>,
      %add3A_155 = arith.constant 1.000000e-16 : f32
      %add3A_156 = vector.broadcast %add3A_155 : f32 to vector<16xf32>
      %add3A_157 = arith.addf %gather3A_152, %add3A_156 : vector<16xf32>
      %div3A_158 = arith.divf %get3A_154, %add3A_157 : vector<16xf32>
      %max3A_159 = arith.constant 9.99999997E-7 : f32
      %max3A_160 = vector.broadcast %max3A_159 : f32 to vector<16xf32>
      %max3A_161 = arith.maximumf %div3A_158, %max3A_160 : vector<16xf32>
      %min3A_162 = arith.constant 0.999998986 : f32
      %min3A_163 = vector.broadcast %min3A_162 : f32 to vector<16xf32>
      %min3A_164 = arith.minimumf %max3A_161, %min3A_163 : vector<16xf32>
      %swap3A_165 = arith.index_cast %multiple_of3A_135 : i32 to index
      %swap3A_166 = tpu.vector_load %arg25[%swap3A_165] {strides = array<i32>} : memref<5328xf32, #tpu.memory_space<vmem>>, vector<16xf32>,
      tpu.vector_store %arg25[%swap3A_165], %min3A_164 {strides = array<i32>} : memref<5328xf32, #tpu.memory_space<vmem>>, vector<16xf32>,
    }
    %scan3A_6 = arith.constant 332 : i32
    %scan3A_7 = arith.addi %scan3A, %scan3A_6 : i32
    %mul3A_8 = arith.constant 16 : i32
    %mul3A_9 = arith.muli %scan3A_7, %mul3A_8 : i32
    %multiple_of3A_10 = tpu.assume_multiple %mul3A_9, 16 : i32
    %get3A = arith.index_cast %multiple_of3A_10 : i32 to index
    %get3A_11 = tpu.vector_load %arg19[%get3A] {strides = array<i32>} : memref<5328xi32, #tpu.memory_space<vmem>>, vector<16xi32>,
    %gather3A = tpu.vector_load_idx %arg17[%get3A_11] : memref<10240xf32, #tpu.memory_space<vmem>>[vector<16xi32>], vector<16xf32>,
    %broadcast_in_dim3A = arith.constant true
    %broadcast_in_dim3A_12 = vector.broadcast %broadcast_in_dim3A : i1 to vector<16xi1>
    %unique3A, %unique3A_13 = tpu.scan_count mask(%broadcast_in_dim3A_12 : vector<16xi1>) value(%get3A_11 : vector<16xi32>) : vector<16xi1>, vector<16xi32>
    %convert_element_type3A = arith.sitofp %unique3A_13 : vector<16xi32> to vector<16xf32>
    %add3A_14 = arith.addf %gather3A, %convert_element_type3A : vector<16xf32>
    tpu.vector_store_idx %arg17[%get3A_11], %add3A_14 masked %unique3A : memref<10240xf32, #tpu.memory_space<vmem>>[vector<16xi32>], vector<16xf32>, vector<16xi1>
    %add3A_15 = arith.addf %gather3A, %convert_element_type3A : vector<16xf32>
    %sub3A = arith.constant 1.000000e+00 : f32
    %sub3A_16 = vector.broadcast %sub3A : f32 to vector<16xf32>
    %sub3A_17 = arith.subf %add3A_15, %sub3A_16 : vector<16xf32>
    %convert_element_type3A_18 = arith.fptosi %sub3A_17 : vector<16xf32> to vector<16xi32>
    %swap3A = arith.index_cast %multiple_of3A_10 : i32 to index
    %swap3A_19 = tpu.vector_load %arg24[%swap3A] {strides = array<i32>} : memref<5328xi32, #tpu.memory_space<vmem>>, vector<16xi32>,
    tpu.vector_store %arg24[%swap3A], %convert_element_type3A_18 {strides = array<i32>} : memref<5328xi32, #tpu.memory_space<vmem>>, vector<16xi32>,
    %gather3A_20 = tpu.vector_load_idx %arg18[%get3A_11] : memref<10240xf32, #tpu.memory_space<vmem>>[vector<16xi32>], vector<16xf32>,
    %get3A_21 = arith.index_cast %multiple_of3A_10 : i32 to index
    %get3A_22 = tpu.vector_load %arg23[%get3A_21] {strides = array<i32>} : memref<5328xf32, #tpu.memory_space<vmem>>, vector<16xf32>,
    %add3A_23 = arith.constant 1.000000e-16 : f32
    %add3A_24 = vector.broadcast %add3A_23 : f32 to vector<16xf32>
    %add3A_25 = arith.addf %gather3A_20, %add3A_24 : vector<16xf32>
    %div3A = arith.divf %get3A_22, %add3A_25 : vector<16xf32>
    %max3A = arith.constant 9.99999997E-7 : f32
    %max3A_26 = vector.broadcast %max3A : f32 to vector<16xf32>
    %max3A_27 = arith.maximumf %div3A, %max3A_26 : vector<16xf32>
    %min3A = arith.constant 0.999998986 : f32
    %min3A_28 = vector.broadcast %min3A : f32 to vector<16xf32>
    %min3A_29 = arith.minimumf %max3A_27, %min3A_28 : vector<16xf32>
    %swap3A_30 = arith.index_cast %multiple_of3A_10 : i32 to index
    %swap3A_31 = tpu.vector_load %arg25[%swap3A_30] {strides = array<i32>} : memref<5328xf32, #tpu.memory_space<vmem>>, vector<16xf32>,
    tpu.vector_store %arg25[%swap3A_30], %min3A_29 {strides = array<i32>} : memref<5328xf32, #tpu.memory_space<vmem>>, vector<16xf32>,
    %scan3A_32 = arith.constant 333 : i32
    %dma_start3A = arith.constant 0 : i32
    %dma_start3A_33 = tpu.memref_slice %arg9[%dma_start3A] : memref<170496xf32, #tpu.memory_space<hbm>> -> memref<170496xf32, #tpu.memory_space<hbm>>
    tpu.enqueue_indirect_dma source(%dma_start3A_33 : memref<170496xf32, #tpu.memory_space<hbm>>) target(%arg26 : memref<5328xf32, #tpu.memory_space<vmem>>) offsets(%arg24 : memref<5328xi32, #tpu.memory_space<vmem>>) semaphore(%arg32 : memref<!tpu.dma_semaphore, #tpu.memory_space<semaphore_mem>>)
    %dma_wait3A = arith.constant 0 : i32
    %dma_wait3A_34 = tpu.memref_slice %arg9[%dma_wait3A] : memref<170496xf32, #tpu.memory_space<hbm>> -> memref<170496xf32, #tpu.memory_space<hbm>>
    tpu.wait_indirect_dma semaphore(%arg32 : memref<!tpu.dma_semaphore, #tpu.memory_space<semaphore_mem>>) src(%dma_wait3A_34 : memref<170496xf32, #tpu.memory_space<hbm>>) dst(%arg26 : memref<5328xf32, #tpu.memory_space<vmem>>)
    %get3A_35 = arith.constant 0 : index
    %get3A_36 = tpu.vector_load %arg31[%get3A_35] {strides = array<i32>} : memref<16xf32, #tpu.memory_space<vmem>>, vector<16xf32>,
    %broadcast_in_dim3A_37 = arith.constant 10000 : i32
    %broadcast_in_dim3A_38 = vector.broadcast %broadcast_in_dim3A_37 : i32 to vector<16xi32>
    %scan3A_39 = arith.constant 0 : i32
    %scan3A_40 = arith.constant 332 : i32
    %scan3A_41 = arith.addi %scan3A_39, %scan3A_40 : i32
    %scan3A_42 = arith.constant 2 : i32
    scf.for %scan3A_96 = %scan3A_39 to %scan3A_41 step %scan3A_42  : i32 {
      %mul3A_97 = arith.constant 16 : i32
      %mul3A_98 = arith.muli %scan3A_96, %mul3A_97 : i32
      %multiple_of3A_99 = tpu.assume_multiple %mul3A_98, 16 : i32
      %get3A_100 = arith.index_cast %multiple_of3A_99 : i32 to index
      %get3A_101 = tpu.vector_load %arg25[%get3A_100] {strides = array<i32>} : memref<5328xf32, #tpu.memory_space<vmem>>, vector<16xf32>,
      %sub3A_102 = arith.constant 1.000000e+00 : f32
      %sub3A_103 = vector.broadcast %sub3A_102 : f32 to vector<16xf32>
      %sub3A_104 = arith.subf %sub3A_103, %get3A_101 : vector<16xf32>
      %mul3A_105 = arith.mulf %get3A_101, %get3A_101 : vector<16xf32>
      %get3A_106 = arith.index_cast %multiple_of3A_99 : i32 to index
      %get3A_107 = tpu.vector_load %arg26[%get3A_106] {strides = array<i32>} : memref<5328xf32, #tpu.memory_space<vmem>>, vector<16xf32>,
      %mul3A_108 = arith.mulf %sub3A_104, %sub3A_104 : vector<16xf32>
      %mul3A_109 = arith.mulf %get3A_107, %mul3A_108 : vector<16xf32>
      %add3A_110 = arith.addf %mul3A_105, %mul3A_109 : vector<16xf32>
      %div3A_111 = arith.divf %mul3A_105, %add3A_110 : vector<16xf32>
      %gt3A_112 = arith.constant 5.000000e-01 : f32
      %gt3A_113 = vector.broadcast %gt3A_112 : f32 to vector<16xf32>
      %gt3A_114 = arith.cmpf ogt, %div3A_111, %gt3A_113 : vector<16xf32>
      %jit3A_115 = arith.constant 1.000000e+00 : f32
      %jit3A_116 = arith.constant 0.000000e+00 : f32
      %broadcast_in_dim3A_117 = vector.broadcast %jit3A_115 : f32 to vector<16xf32>
      %broadcast_in_dim3A_118 = vector.broadcast %jit3A_116 : f32 to vector<16xf32>
      %select_n3A_119 = arith.select %gt3A_114, %broadcast_in_dim3A_117, %broadcast_in_dim3A_118 : vector<16xi1>, vector<16xf32>
      %sub3A_120 = arith.subf %select_n3A_119, %div3A_111 : vector<16xf32>
      %add3A_121 = arith.addf %sub3A_120, %div3A_111 : vector<16xf32>
      %get3A_122 = arith.index_cast %multiple_of3A_99 : i32 to index
      %get3A_123 = tpu.vector_load %arg21[%get3A_122] {strides = array<i32>} : memref<5328xf32, #tpu.memory_space<vmem>>, vector<16xf32>,
      %get3A_124 = arith.index_cast %multiple_of3A_99 : i32 to index
      %get3A_125 = tpu.vector_load %arg22[%get3A_124] {strides = array<i32>} : memref<5328xf32, #tpu.memory_space<vmem>>, vector<16xf32>,
      %swap3A_126 = arith.index_cast %multiple_of3A_99 : i32 to index
      %swap3A_127 = tpu.vector_load %arg27[%swap3A_126] {strides = array<i32>} : memref<5328xf32, #tpu.memory_space<vmem>>, vector<16xf32>,
      tpu.vector_store %arg27[%swap3A_126], %div3A_111 {strides = array<i32>} : memref<5328xf32, #tpu.memory_space<vmem>>, vector<16xf32>,
      %eq3A_128 = arith.constant 0.000000e+00 : f32
      %eq3A_129 = vector.broadcast %eq3A_128 : f32 to vector<16xf32>
      %eq3A_130 = arith.cmpf oeq, %get3A_123, %eq3A_129 : vector<16xf32>
      %select_n3A_131 = arith.select %eq3A_130, %add3A_121, %get3A_123 : vector<16xi1>, vector<16xf32>
      %swap3A_132 = arith.index_cast %multiple_of3A_99 : i32 to index
      %swap3A_133 = tpu.vector_load %arg28[%swap3A_132] {strides = array<i32>} : memref<5328xf32, #tpu.memory_space<vmem>>, vector<16xf32>,
      tpu.vector_store %arg28[%swap3A_132], %select_n3A_131 {strides = array<i32>} : memref<5328xf32, #tpu.memory_space<vmem>>, vector<16xf32>,
      %eq3A_134 = arith.constant 0.000000e+00 : f32
      %eq3A_135 = vector.broadcast %eq3A_134 : f32 to vector<16xf32>
      %eq3A_136 = arith.cmpf oeq, %get3A_125, %eq3A_135 : vector<16xf32>
      %eq3A_137 = arith.constant 1.000000e+00 : f32
      %eq3A_138 = vector.broadcast %eq3A_137 : f32 to vector<16xf32>
      %eq3A_139 = arith.cmpf oeq, %select_n3A_119, %eq3A_138 : vector<16xf32>
      %and3A_140 = arith.andi %eq3A_136, %eq3A_139 : vector<16xi1>
      %select_n3A_141 = arith.select %and3A_140, %get3A_36, %get3A_125 : vector<16xi1>, vector<16xf32>
      %swap3A_142 = arith.index_cast %multiple_of3A_99 : i32 to index
      %swap3A_143 = tpu.vector_load %arg29[%swap3A_142] {strides = array<i32>} : memref<5328xf32, #tpu.memory_space<vmem>>, vector<16xf32>,
      tpu.vector_store %arg29[%swap3A_142], %select_n3A_141 {strides = array<i32>} : memref<5328xf32, #tpu.memory_space<vmem>>, vector<16xf32>,
      %eq3A_144 = arith.constant -1.000000e+00 : f32
      %eq3A_145 = vector.broadcast %eq3A_144 : f32 to vector<16xf32>
      %eq3A_146 = arith.cmpf oeq, %get3A_125, %eq3A_145 : vector<16xf32>
      %get3A_147 = arith.index_cast %multiple_of3A_99 : i32 to index
      %get3A_148 = tpu.vector_load %arg19[%get3A_147] {strides = array<i32>} : memref<5328xi32, #tpu.memory_space<vmem>>, vector<16xi32>,
      %select_n3A_149 = arith.select %eq3A_146, %get3A_148, %broadcast_in_dim3A_38 : vector<16xi1>, vector<16xi32>
      %swap3A_150 = arith.index_cast %multiple_of3A_99 : i32 to index
      %swap3A_151 = tpu.vector_load %arg30[%swap3A_150] {strides = array<i32>} : memref<5328xi32, #tpu.memory_space<vmem>>, vector<16xi32>,
      tpu.vector_store %arg30[%swap3A_150], %select_n3A_149 {strides = array<i32>} : memref<5328xi32, #tpu.memory_space<vmem>>, vector<16xi32>,
      %scan3A_152 = arith.constant 1 : i32
      %scan3A_153 = arith.addi %scan3A_96, %scan3A_152 : i32
      %mul3A_154 = arith.constant 16 : i32
      %mul3A_155 = arith.muli %scan3A_153, %mul3A_154 : i32
      %multiple_of3A_156 = tpu.assume_multiple %mul3A_155, 16 : i32
      %get3A_157 = arith.index_cast %multiple_of3A_156 : i32 to index
      %get3A_158 = tpu.vector_load %arg25[%get3A_157] {strides = array<i32>} : memref<5328xf32, #tpu.memory_space<vmem>>, vector<16xf32>,
      %sub3A_159 = arith.constant 1.000000e+00 : f32
      %sub3A_160 = vector.broadcast %sub3A_159 : f32 to vector<16xf32>
      %sub3A_161 = arith.subf %sub3A_160, %get3A_158 : vector<16xf32>
      %mul3A_162 = arith.mulf %get3A_158, %get3A_158 : vector<16xf32>
      %get3A_163 = arith.index_cast %multiple_of3A_156 : i32 to index
      %get3A_164 = tpu.vector_load %arg26[%get3A_163] {strides = array<i32>} : memref<5328xf32, #tpu.memory_space<vmem>>, vector<16xf32>,
      %mul3A_165 = arith.mulf %sub3A_161, %sub3A_161 : vector<16xf32>
      %mul3A_166 = arith.mulf %get3A_164, %mul3A_165 : vector<16xf32>
      %add3A_167 = arith.addf %mul3A_162, %mul3A_166 : vector<16xf32>
      %div3A_168 = arith.divf %mul3A_162, %add3A_167 : vector<16xf32>
      %gt3A_169 = arith.constant 5.000000e-01 : f32
      %gt3A_170 = vector.broadcast %gt3A_169 : f32 to vector<16xf32>
      %gt3A_171 = arith.cmpf ogt, %div3A_168, %gt3A_170 : vector<16xf32>
      %jit3A_172 = arith.constant 1.000000e+00 : f32
      %jit3A_173 = arith.constant 0.000000e+00 : f32
      %broadcast_in_dim3A_174 = vector.broadcast %jit3A_172 : f32 to vector<16xf32>
      %broadcast_in_dim3A_175 = vector.broadcast %jit3A_173 : f32 to vector<16xf32>
      %select_n3A_176 = arith.select %gt3A_171, %broadcast_in_dim3A_174, %broadcast_in_dim3A_175 : vector<16xi1>, vector<16xf32>
      %sub3A_177 = arith.subf %select_n3A_176, %div3A_168 : vector<16xf32>
      %add3A_178 = arith.addf %sub3A_177, %div3A_168 : vector<16xf32>
      %get3A_179 = arith.index_cast %multiple_of3A_156 : i32 to index
      %get3A_180 = tpu.vector_load %arg21[%get3A_179] {strides = array<i32>} : memref<5328xf32, #tpu.memory_space<vmem>>, vector<16xf32>,
      %get3A_181 = arith.index_cast %multiple_of3A_156 : i32 to index
      %get3A_182 = tpu.vector_load %arg22[%get3A_181] {strides = array<i32>} : memref<5328xf32, #tpu.memory_space<vmem>>, vector<16xf32>,
      %swap3A_183 = arith.index_cast %multiple_of3A_156 : i32 to index
      %swap3A_184 = tpu.vector_load %arg27[%swap3A_183] {strides = array<i32>} : memref<5328xf32, #tpu.memory_space<vmem>>, vector<16xf32>,
      tpu.vector_store %arg27[%swap3A_183], %div3A_168 {strides = array<i32>} : memref<5328xf32, #tpu.memory_space<vmem>>, vector<16xf32>,
      %eq3A_185 = arith.constant 0.000000e+00 : f32
      %eq3A_186 = vector.broadcast %eq3A_185 : f32 to vector<16xf32>
      %eq3A_187 = arith.cmpf oeq, %get3A_180, %eq3A_186 : vector<16xf32>
      %select_n3A_188 = arith.select %eq3A_187, %add3A_178, %get3A_180 : vector<16xi1>, vector<16xf32>
      %swap3A_189 = arith.index_cast %multiple_of3A_156 : i32 to index
      %swap3A_190 = tpu.vector_load %arg28[%swap3A_189] {strides = array<i32>} : memref<5328xf32, #tpu.memory_space<vmem>>, vector<16xf32>,
      tpu.vector_store %arg28[%swap3A_189], %select_n3A_188 {strides = array<i32>} : memref<5328xf32, #tpu.memory_space<vmem>>, vector<16xf32>,
      %eq3A_191 = arith.constant 0.000000e+00 : f32
      %eq3A_192 = vector.broadcast %eq3A_191 : f32 to vector<16xf32>
      %eq3A_193 = arith.cmpf oeq, %get3A_182, %eq3A_192 : vector<16xf32>
      %eq3A_194 = arith.constant 1.000000e+00 : f32
      %eq3A_195 = vector.broadcast %eq3A_194 : f32 to vector<16xf32>
      %eq3A_196 = arith.cmpf oeq, %select_n3A_176, %eq3A_195 : vector<16xf32>
      %and3A_197 = arith.andi %eq3A_193, %eq3A_196 : vector<16xi1>
      %select_n3A_198 = arith.select %and3A_197, %get3A_36, %get3A_182 : vector<16xi1>, vector<16xf32>
      %swap3A_199 = arith.index_cast %multiple_of3A_156 : i32 to index
      %swap3A_200 = tpu.vector_load %arg29[%swap3A_199] {strides = array<i32>} : memref<5328xf32, #tpu.memory_space<vmem>>, vector<16xf32>,
      tpu.vector_store %arg29[%swap3A_199], %select_n3A_198 {strides = array<i32>} : memref<5328xf32, #tpu.memory_space<vmem>>, vector<16xf32>,
      %eq3A_201 = arith.constant -1.000000e+00 : f32
      %eq3A_202 = vector.broadcast %eq3A_201 : f32 to vector<16xf32>
      %eq3A_203 = arith.cmpf oeq, %get3A_182, %eq3A_202 : vector<16xf32>
      %get3A_204 = arith.index_cast %multiple_of3A_156 : i32 to index
      %get3A_205 = tpu.vector_load %arg19[%get3A_204] {strides = array<i32>} : memref<5328xi32, #tpu.memory_space<vmem>>, vector<16xi32>,
      %select_n3A_206 = arith.select %eq3A_203, %get3A_205, %broadcast_in_dim3A_38 : vector<16xi1>, vector<16xi32>
      %swap3A_207 = arith.index_cast %multiple_of3A_156 : i32 to index
      %swap3A_208 = tpu.vector_load %arg30[%swap3A_207] {strides = array<i32>} : memref<5328xi32, #tpu.memory_space<vmem>>, vector<16xi32>,
      tpu.vector_store %arg30[%swap3A_207], %select_n3A_206 {strides = array<i32>} : memref<5328xi32, #tpu.memory_space<vmem>>, vector<16xi32>,
    }
    %scan3A_43 = arith.constant 332 : i32
    %scan3A_44 = arith.addi %scan3A_39, %scan3A_43 : i32
    %mul3A_45 = arith.constant 16 : i32
    %mul3A_46 = arith.muli %scan3A_44, %mul3A_45 : i32
    %multiple_of3A_47 = tpu.assume_multiple %mul3A_46, 16 : i32
    %get3A_48 = arith.index_cast %multiple_of3A_47 : i32 to index
    %get3A_49 = tpu.vector_load %arg25[%get3A_48] {strides = array<i32>} : memref<5328xf32, #tpu.memory_space<vmem>>, vector<16xf32>,
    %sub3A_50 = arith.constant 1.000000e+00 : f32
    %sub3A_51 = vector.broadcast %sub3A_50 : f32 to vector<16xf32>
    %sub3A_52 = arith.subf %sub3A_51, %get3A_49 : vector<16xf32>
    %mul3A_53 = arith.mulf %get3A_49, %get3A_49 : vector<16xf32>
    %get3A_54 = arith.index_cast %multiple_of3A_47 : i32 to index
    %get3A_55 = tpu.vector_load %arg26[%get3A_54] {strides = array<i32>} : memref<5328xf32, #tpu.memory_space<vmem>>, vector<16xf32>,
    %mul3A_56 = arith.mulf %sub3A_52, %sub3A_52 : vector<16xf32>
    %mul3A_57 = arith.mulf %get3A_55, %mul3A_56 : vector<16xf32>
    %add3A_58 = arith.addf %mul3A_53, %mul3A_57 : vector<16xf32>
    %div3A_59 = arith.divf %mul3A_53, %add3A_58 : vector<16xf32>
    %gt3A = arith.constant 5.000000e-01 : f32
    %gt3A_60 = vector.broadcast %gt3A : f32 to vector<16xf32>
    %gt3A_61 = arith.cmpf ogt, %div3A_59, %gt3A_60 : vector<16xf32>
    %jit3A = arith.constant 1.000000e+00 : f32
    %jit3A_62 = arith.constant 0.000000e+00 : f32
    %broadcast_in_dim3A_63 = vector.broadcast %jit3A : f32 to vector<16xf32>
    %broadcast_in_dim3A_64 = vector.broadcast %jit3A_62 : f32 to vector<16xf32>
    %select_n3A = arith.select %gt3A_61, %broadcast_in_dim3A_63, %broadcast_in_dim3A_64 : vector<16xi1>, vector<16xf32>
    %sub3A_65 = arith.subf %select_n3A, %div3A_59 : vector<16xf32>
    %add3A_66 = arith.addf %sub3A_65, %div3A_59 : vector<16xf32>
    %get3A_67 = arith.index_cast %multiple_of3A_47 : i32 to index
    %get3A_68 = tpu.vector_load %arg21[%get3A_67] {strides = array<i32>} : memref<5328xf32, #tpu.memory_space<vmem>>, vector<16xf32>,
    %get3A_69 = arith.index_cast %multiple_of3A_47 : i32 to index
    %get3A_70 = tpu.vector_load %arg22[%get3A_69] {strides = array<i32>} : memref<5328xf32, #tpu.memory_space<vmem>>, vector<16xf32>,
    %swap3A_71 = arith.index_cast %multiple_of3A_47 : i32 to index
    %swap3A_72 = tpu.vector_load %arg27[%swap3A_71] {strides = array<i32>} : memref<5328xf32, #tpu.memory_space<vmem>>, vector<16xf32>,
    tpu.vector_store %arg27[%swap3A_71], %div3A_59 {strides = array<i32>} : memref<5328xf32, #tpu.memory_space<vmem>>, vector<16xf32>,
    %eq3A = arith.constant 0.000000e+00 : f32
    %eq3A_73 = vector.broadcast %eq3A : f32 to vector<16xf32>
    %eq3A_74 = arith.cmpf oeq, %get3A_68, %eq3A_73 : vector<16xf32>
    %select_n3A_75 = arith.select %eq3A_74, %add3A_66, %get3A_68 : vector<16xi1>, vector<16xf32>
    %swap3A_76 = arith.index_cast %multiple_of3A_47 : i32 to index
    %swap3A_77 = tpu.vector_load %arg28[%swap3A_76] {strides = array<i32>} : memref<5328xf32, #tpu.memory_space<vmem>>, vector<16xf32>,
    tpu.vector_store %arg28[%swap3A_76], %select_n3A_75 {strides = array<i32>} : memref<5328xf32, #tpu.memory_space<vmem>>, vector<16xf32>,
    %eq3A_78 = arith.constant 0.000000e+00 : f32
    %eq3A_79 = vector.broadcast %eq3A_78 : f32 to vector<16xf32>
    %eq3A_80 = arith.cmpf oeq, %get3A_70, %eq3A_79 : vector<16xf32>
    %eq3A_81 = arith.constant 1.000000e+00 : f32
    %eq3A_82 = vector.broadcast %eq3A_81 : f32 to vector<16xf32>
    %eq3A_83 = arith.cmpf oeq, %select_n3A, %eq3A_82 : vector<16xf32>
    %and3A = arith.andi %eq3A_80, %eq3A_83 : vector<16xi1>
    %select_n3A_84 = arith.select %and3A, %get3A_36, %get3A_70 : vector<16xi1>, vector<16xf32>
    %swap3A_85 = arith.index_cast %multiple_of3A_47 : i32 to index
    %swap3A_86 = tpu.vector_load %arg29[%swap3A_85] {strides = array<i32>} : memref<5328xf32, #tpu.memory_space<vmem>>, vector<16xf32>,
    tpu.vector_store %arg29[%swap3A_85], %select_n3A_84 {strides = array<i32>} : memref<5328xf32, #tpu.memory_space<vmem>>, vector<16xf32>,
    %eq3A_87 = arith.constant -1.000000e+00 : f32
    %eq3A_88 = vector.broadcast %eq3A_87 : f32 to vector<16xf32>
    %eq3A_89 = arith.cmpf oeq, %get3A_70, %eq3A_88 : vector<16xf32>
    %get3A_90 = arith.index_cast %multiple_of3A_47 : i32 to index
    %get3A_91 = tpu.vector_load %arg19[%get3A_90] {strides = array<i32>} : memref<5328xi32, #tpu.memory_space<vmem>>, vector<16xi32>,
    %select_n3A_92 = arith.select %eq3A_89, %get3A_91, %broadcast_in_dim3A_38 : vector<16xi1>, vector<16xi32>
    %swap3A_93 = arith.index_cast %multiple_of3A_47 : i32 to index
    %swap3A_94 = tpu.vector_load %arg30[%swap3A_93] {strides = array<i32>} : memref<5328xi32, #tpu.memory_space<vmem>>, vector<16xi32>,
    tpu.vector_store %arg30[%swap3A_93], %select_n3A_92 {strides = array<i32>} : memref<5328xi32, #tpu.memory_space<vmem>>, vector<16xi32>,
    %scan3A_95 = arith.constant 333 : i32
    "tpu.region"() ({
      %run_scoped3A = tpu.sem_alloc : memref<!tpu.dma_semaphore, #tpu.memory_space<semaphore_mem>>
      %dma_start3A_96 = arith.constant 0 : i32
      %dma_start3A_97 = tpu.memref_slice %arg11[%dma_start3A_96] : memref<170496xi32, #tpu.memory_space<hbm>> -> memref<170496xi32, #tpu.memory_space<hbm>>
      tpu.enqueue_indirect_dma source(%arg20 : memref<5328xi32, #tpu.memory_space<vmem>>) target(%dma_start3A_97 : memref<170496xi32, #tpu.memory_space<hbm>>) offsets(%arg24 : memref<5328xi32, #tpu.memory_space<vmem>>) semaphore(%run_scoped3A : memref<!tpu.dma_semaphore, #tpu.memory_space<semaphore_mem>>)
      %dma_wait3A_98 = arith.constant 0 : i32
      %dma_wait3A_99 = tpu.memref_slice %arg11[%dma_wait3A_98] : memref<170496xi32, #tpu.memory_space<hbm>> -> memref<170496xi32, #tpu.memory_space<hbm>>
      tpu.wait_indirect_dma semaphore(%run_scoped3A : memref<!tpu.dma_semaphore, #tpu.memory_space<semaphore_mem>>) src(%arg20 : memref<5328xi32, #tpu.memory_space<vmem>>) dst(%dma_wait3A_99 : memref<170496xi32, #tpu.memory_space<hbm>>)
      tpu.yield
    }) : () -> ()
    "tpu.region"() ({
      %run_scoped3A = tpu.sem_alloc : memref<!tpu.dma_semaphore, #tpu.memory_space<semaphore_mem>>
      %dma_start3A_96 = arith.constant 0 : i32
      %dma_start3A_97 = tpu.memref_slice %arg12[%dma_start3A_96] : memref<170496xi32, #tpu.memory_space<hbm>> -> memref<170496xi32, #tpu.memory_space<hbm>>
      tpu.enqueue_indirect_dma source(%arg19 : memref<5328xi32, #tpu.memory_space<vmem>>) target(%dma_start3A_97 : memref<170496xi32, #tpu.memory_space<hbm>>) offsets(%arg24 : memref<5328xi32, #tpu.memory_space<vmem>>) semaphore(%run_scoped3A : memref<!tpu.dma_semaphore, #tpu.memory_space<semaphore_mem>>)
      %dma_wait3A_98 = arith.constant 0 : i32
      %dma_wait3A_99 = tpu.memref_slice %arg12[%dma_wait3A_98] : memref<170496xi32, #tpu.memory_space<hbm>> -> memref<170496xi32, #tpu.memory_space<hbm>>
      tpu.wait_indirect_dma semaphore(%run_scoped3A : memref<!tpu.dma_semaphore, #tpu.memory_space<semaphore_mem>>) src(%arg19 : memref<5328xi32, #tpu.memory_space<vmem>>) dst(%dma_wait3A_99 : memref<170496xi32, #tpu.memory_space<hbm>>)
      tpu.yield
    }) : () -> ()
    "tpu.region"() ({
      %run_scoped3A = tpu.sem_alloc : memref<!tpu.dma_semaphore, #tpu.memory_space<semaphore_mem>>
      %dma_start3A_96 = arith.constant 0 : i32
      %dma_start3A_97 = tpu.memref_slice %arg13[%dma_start3A_96] : memref<170496xf32, #tpu.memory_space<hbm>> -> memref<170496xf32, #tpu.memory_space<hbm>>
      tpu.enqueue_indirect_dma source(%arg28 : memref<5328xf32, #tpu.memory_space<vmem>>) target(%dma_start3A_97 : memref<170496xf32, #tpu.memory_space<hbm>>) offsets(%arg24 : memref<5328xi32, #tpu.memory_space<vmem>>) semaphore(%run_scoped3A : memref<!tpu.dma_semaphore, #tpu.memory_space<semaphore_mem>>)
      %dma_wait3A_98 = arith.constant 0 : i32
      %dma_wait3A_99 = tpu.memref_slice %arg13[%dma_wait3A_98] : memref<170496xf32, #tpu.memory_space<hbm>> -> memref<170496xf32, #tpu.memory_space<hbm>>
      tpu.wait_indirect_dma semaphore(%run_scoped3A : memref<!tpu.dma_semaphore, #tpu.memory_space<semaphore_mem>>) src(%arg28 : memref<5328xf32, #tpu.memory_space<vmem>>) dst(%dma_wait3A_99 : memref<170496xf32, #tpu.memory_space<hbm>>)
      tpu.yield
    }) : () -> ()
    "tpu.region"() ({
      %run_scoped3A = tpu.sem_alloc : memref<!tpu.dma_semaphore, #tpu.memory_space<semaphore_mem>>
      %dma_start3A_96 = arith.constant 0 : i32
      %dma_start3A_97 = tpu.memref_slice %arg14[%dma_start3A_96] : memref<170496xf32, #tpu.memory_space<hbm>> -> memref<170496xf32, #tpu.memory_space<hbm>>
      tpu.enqueue_indirect_dma source(%arg29 : memref<5328xf32, #tpu.memory_space<vmem>>) target(%dma_start3A_97 : memref<170496xf32, #tpu.memory_space<hbm>>) offsets(%arg24 : memref<5328xi32, #tpu.memory_space<vmem>>) semaphore(%run_scoped3A : memref<!tpu.dma_semaphore, #tpu.memory_space<semaphore_mem>>)
      %dma_wait3A_98 = arith.constant 0 : i32
      %dma_wait3A_99 = tpu.memref_slice %arg14[%dma_wait3A_98] : memref<170496xf32, #tpu.memory_space<hbm>> -> memref<170496xf32, #tpu.memory_space<hbm>>
      tpu.wait_indirect_dma semaphore(%run_scoped3A : memref<!tpu.dma_semaphore, #tpu.memory_space<semaphore_mem>>) src(%arg29 : memref<5328xf32, #tpu.memory_space<vmem>>) dst(%dma_wait3A_99 : memref<170496xf32, #tpu.memory_space<hbm>>)
      tpu.yield
    }) : () -> ()
    "tpu.region"() ({
      %run_scoped3A = tpu.sem_alloc : memref<!tpu.dma_semaphore, #tpu.memory_space<semaphore_mem>>
      %dma_start3A_96 = arith.constant 0 : i32
      %dma_start3A_97 = tpu.memref_slice %arg15[%dma_start3A_96] : memref<170496xf32, #tpu.memory_space<hbm>> -> memref<170496xf32, #tpu.memory_space<hbm>>
      tpu.enqueue_indirect_dma source(%arg27 : memref<5328xf32, #tpu.memory_space<vmem>>) target(%dma_start3A_97 : memref<170496xf32, #tpu.memory_space<hbm>>) offsets(%arg24 : memref<5328xi32, #tpu.memory_space<vmem>>) semaphore(%run_scoped3A : memref<!tpu.dma_semaphore, #tpu.memory_space<semaphore_mem>>)
      %dma_wait3A_98 = arith.constant 0 : i32
      %dma_wait3A_99 = tpu.memref_slice %arg15[%dma_wait3A_98] : memref<170496xf32, #tpu.memory_space<hbm>> -> memref<170496xf32, #tpu.memory_space<hbm>>
      tpu.wait_indirect_dma semaphore(%run_scoped3A : memref<!tpu.dma_semaphore, #tpu.memory_space<semaphore_mem>>) src(%arg27 : memref<5328xf32, #tpu.memory_space<vmem>>) dst(%dma_wait3A_99 : memref<170496xf32, #tpu.memory_space<hbm>>)
      tpu.yield
    }) : () -> ()
    "tpu.region"() ({
      %run_scoped3A = tpu.sem_alloc : memref<!tpu.dma_semaphore, #tpu.memory_space<semaphore_mem>>
      %dma_start3A_96 = arith.constant 0 : i32
      %dma_start3A_97 = tpu.memref_slice %arg16[%dma_start3A_96] : memref<10240xf32, #tpu.memory_space<hbm>> -> memref<10240xf32, #tpu.memory_space<hbm>>
      tpu.enqueue_indirect_dma source(%arg27 : memref<5328xf32, #tpu.memory_space<vmem>>) target(%dma_start3A_97 : memref<10240xf32, #tpu.memory_space<hbm>>) offsets(%arg30 : memref<5328xi32, #tpu.memory_space<vmem>>) semaphore(%run_scoped3A : memref<!tpu.dma_semaphore, #tpu.memory_space<semaphore_mem>>)
      %dma_wait3A_98 = arith.constant 0 : i32
      %dma_wait3A_99 = tpu.memref_slice %arg16[%dma_wait3A_98] : memref<10240xf32, #tpu.memory_space<hbm>> -> memref<10240xf32, #tpu.memory_space<hbm>>
      tpu.wait_indirect_dma semaphore(%run_scoped3A : memref<!tpu.dma_semaphore, #tpu.memory_space<semaphore_mem>>) src(%arg27 : memref<5328xf32, #tpu.memory_space<vmem>>) dst(%dma_wait3A_99 : memref<10240xf32, #tpu.memory_space<hbm>>)
      tpu.yield
    }) : () -> ()
    return
  }
}

module attributes {stable_mosaic.version = 14 : i64} {
  func.func @body(%arg0: i32, %arg1: memref<1000x256xf32, #tpu.memory_space<vmem>>, %arg2: memref<256x8xf32, #tpu.memory_space<vmem>>, %arg3: memref<1000x8xf32, #tpu.memory_space<vmem>>) attributes {dimension_semantics = [#tpu.dimension_semantics<arbitrary>], iteration_bounds = array<i64: 10>, scalar_prefetch = 0 : i64, scratch_operands = 0 : i64, tpu.core_type = #tpu.core_type<tc>, window_params = [{transform_indices = @transform_0, window_bounds = array<i64: 1000, 256>}, {pipeline_mode = #tpu.pipeline_mode<synchronous>, transform_indices = @transform_1, window_bounds = array<i64: 256, 8>}, {transform_indices = @transform_2, window_bounds = array<i64: 1000, 8>}]} {
    %get3A = arith.constant 0 : index
    %get3A_0 = arith.constant 0 : index
    %get3A_1 = vector.load %arg1[%get3A, %get3A_0] : memref<1000x256xf32, #tpu.memory_space<vmem>>, vector<1000x256xf32>
    %get3A_2 = arith.constant 0 : index
    %get3A_3 = arith.constant 0 : index
    %get3A_4 = vector.load %arg2[%get3A_2, %get3A_3] : memref<256x8xf32, #tpu.memory_space<vmem>>, vector<256x8xf32>
    %dot_general3A = arith.constant dense<0.000000e+00> : vector<1000x8xf32>
    %dot_general3A_5 = tpu.matmul %get3A_1, %get3A_4, %dot_general3A {dimension_numbers = #tpu.dot_dimension_numbers<[1], [0], [0], [1], [0, 0, 1, 1], [], []>, precision = #tpu.contract_precision<fp32>, transpose_lhs_hint = false} : vector<1000x256xf32>, vector<256x8xf32>, vector<1000x8xf32> -> vector<1000x8xf32>
    %swap3A = arith.constant 0 : index
    %swap3A_6 = arith.constant 0 : index
    %swap3A_7 = vector.load %arg3[%swap3A, %swap3A_6] : memref<1000x8xf32, #tpu.memory_space<vmem>>, vector<1000x8xf32>
    tpu.vector_store %arg3[%swap3A, %swap3A_6], %dot_general3A_5 {strides = array<i32>} : memref<1000x8xf32, #tpu.memory_space<vmem>>, vector<1000x8xf32>,
    return
  }
  func.func @transform_0(%arg0: i32) -> (i32, i32) {
    %c0_i32 = arith.constant 0 : i32
    %c0_i32_0 = arith.constant 0 : i32
    return %arg0, %c0_i32 : i32, i32
  }
  func.func @transform_1(%arg0: i32) -> (i32, i32) {
    %c0_i32 = arith.constant 0 : i32
    %c0_i32_0 = arith.constant 0 : i32
    %c0_i32_1 = arith.constant 0 : i32
    return %c0_i32, %c0_i32_0 : i32, i32
  }
  func.func @transform_2(%arg0: i32) -> (i32, i32) {
    %c0_i32 = arith.constant 0 : i32
    %c0_i32_0 = arith.constant 0 : i32
    return %arg0, %c0_i32 : i32, i32
  }
}

</mosaic_0001>

<sc_bundles>
// kernel: kernel.12.cloned.1.call-start
scs
__scs_entry_jumppad:
0x0: {  	(pc) =	sbr.rel $0x88, $3  }
0x1: {  	(tag) =	ssettag $0x0;
	lr =	simm.s32 $0x1  }
0x2: {  	[smem:$0x3F9B] =	sst lr;
	_ =	strace $0xD0000000  }
0x3: {  	_ = 	snop  }
0x4: {  	_ = 	snop  }
0x5: {  	_ = 	snop  }
0x6: {  	_ = 	snop  }
0x7: {  	_ = 	snop  }
__scs_overlays_trampoline_lowered:
0x8: {  	[smem:$0x3FAA] =	sst s0  }
0x9: {  	[smem:$0x3FAB] =	sst s1  }
0xa: {  	[smem:$0x3FAC] =	sst s2  }
0xb: {  	[smem:$0x3FAD] =	sst s3  }
0xc: {  	[smem:$0x3FAE] =	sst s4  }
0xd: {  	[smem:$0x3FAF] =	sst s5  }
0xe: {  	[smem:$0x3FB0] =	sst s6  }
0xf: {  	[smem:$0x3FB1] =	sst s7  }
0x10: {  	[smem:$0x3FB2] =	sst s8  }
0x11: {  	[smem:$0x3FB3] =	sst s9;
	s0 =	simm.s32 @!p0 $0x0  }
0x12: {  	s1 =	sld [smem:$0x3F99];
	s0 =	simm.s32 @p0 $0x1  }
0x13: {  	[smem:$0x3FB4] =	sst s0;
	s0 =	simm.s32 @!p1 $0x0  }
0x14: {  	s2 =	sld [smem:$0x3F98];
	s0 =	simm.s32 @p1 $0x1  }
0x15: {  	[smem:$0x3FB5] =	sst s0;
	s0 =	simm.s32 @!p2 $0x0  }
0x16: {  	s3 =	sld [smem:$0x3FDB];
	s0 =	simm.s32 @p2 $0x1  }
0x17: {  	s4 =	simm.s32 $0x1BF5;
	[smem:$0x3FB7] =	sst s0  }
0x18: {  	s0 =	sld [smem:$0x3F9A];
	_ =	swait.ge [sflag:s4], $0x0  }
0x19: {  	s7 =	sld [smem:$0x3F9B]  }
0x1a: {  	s8 =	sadd.s32 $0xFFFFE003, lr  }
0x1b: {  	s9 =	sadd.s32 $0xFFFFFEF7, lr;
	s5 =	simm.s32 $0xFFFFFFFF;
	p2 =	slt.u32 s8, $0xFFFFF086  }
0x1c: {  	p1 =	slt.u32 s9, $0xF7A;
	s5 =	simm.s32 @!p2 $0x0  }
0x1d: {  	s5 =	simm.s32 @p1 $0x1;
	p0 =	seq.s32 s7, s2  }
0x1e: {  	s7 =	smul.u32 @!p0 $0xF7A, s2;
	p2 =	seq.s32 @!p0 s5, $0x0  }
0x1f: {  	s9 =	smul.u32 $0xF7A, s1;
	s8 =	simm.s32 @!p0 $0x1BF5;
	p2 =	por !p2, p0  }
0x20: {  	[sflag:s8] =	ssyncset.s32 @!p0 $0xFFFFF086;
	s6 =	sadd.s32 @!p0 s3, s7;
	s7 =	simm.s32 @!p0 $0x108  }
0x21: {  	s3 =	sadd.s32 s3, s9;
	s6 =	sadd.s32 @!p0 $0x88, s6;
	s7 =	simm.s32 @p2 $0x1082  }
0x22: {  	[simem:s7], [sflag:s8] =	dma.local @!p0 [hbm:s6], $0xF7A  }
0x23: {  	s9 =	sor.u32 $0xD0000000, s2;
	s6 =	simm.s32 $0x108;
	_ =	swait.ge @!p0 [sflag:s8], $0x0  }
0x24: {  	s3 =	sadd.s32 $0x88, s3;
	s6 =	simm.s32 @!p1 $0x1082;
	[sflag:s4] =	ssyncset.s32 $0xFFFFF086  }
0x25: {  	[simem:s6], [sflag:s4] =	dma.local [hbm:s3], $0xF7A  }
0x26: {  	[smem:$0x3F9B] =	sst s1;
	(tag) =	ssettag s2;
	_ =	strace s9  }
0x27: {  	s1 =	sld [smem:$0x3FAB]  }
0x28: {  	s2 =	sld [smem:$0x3FAC]  }
0x29: {  	s4 =	sld [smem:$0x3FAE]  }
0x2a: {  	p0 =	seq.s32 s5, $0x0;
	s5 =	sld [smem:$0x3FAF]  }
0x2b: {  	s6 =	sld [smem:$0x3FB0]  }
0x2c: {  	s7 =	sld [smem:$0x3FB1]  }
0x2d: {  	s3 =	simm.s32 $0x108;
	s8 =	sld [smem:$0x3FB2]  }
0x2e: {  	s3 =	simm.s32 @!p0 $0x1082;
	s9 =	sld [smem:$0x3FB3]  }
0x2f: {  	lr =	sadd.s32 s0, s3;
	s0 =	sld [smem:$0x3FAA]  }
0x30: {  	s3 =	sld [smem:$0x3FAD]  }
0x31: {  	[smem:$0x3FB6] =	sst s10  }
0x32: {  	s10 =	sld [smem:$0x3FB4];
	_ =	sdelay $0x3  }
0x33: {  	p0 =	seq.s32 s10, $0x1;
	s10 =	sld [smem:$0x3FB6];
	_ =	sdelay $0x3  }
0x34: {  	[smem:$0x3FB6] =	sst s10  }
0x35: {  	s10 =	sld [smem:$0x3FB5];
	_ =	sdelay $0x3  }
0x36: {  	p1 =	seq.s32 s10, $0x1;
	s10 =	sld [smem:$0x3FB6];
	_ =	sdelay $0x3  }
0x37: {  	[smem:$0x3FB6] =	sst s10  }
0x38: {  	s10 =	sld [smem:$0x3FB7]  }
0x39: {  	_ = 	snop;
	(pc) =	sbr.ind lr, $3  }
0x3a: {  	_ = 	snop  }
0x3b: {  	_ = 	snop  }
0x3c: {  	p2 =	seq.s32 s10, $0x1;
	s10 =	sld [smem:$0x3FB6]  }
0x3d: {  	_ =	shalt  }
0x3e: {  	_ =	shalt  }
0x3f: {  	_ =	shalt  }
0x40: {  	_ =	shalt  }
0x41: {  	_ =	shalt  }
0x42: {  	_ =	shalt  }
0x43: {  	_ =	shalt  }
0x44: {  	_ =	shalt  }
0x45: {  	_ =	shalt  }
0x46: {  	_ =	shalt  }
0x47: {  	_ =	shalt  }
0x48: {  	_ =	shalt  }
0x49: {  	_ =	shalt  }
0x4a: {  	_ =	shalt  }
0x4b: {  	_ =	shalt  }
0x4c: {  	_ =	shalt  }
0x4d: {  	_ =	shalt  }
0x4e: {  	_ =	shalt  }
0x4f: {  	_ =	shalt  }
0x50: {  	_ =	shalt  }
0x51: {  	_ =	shalt  }
0x52: {  	_ =	shalt  }
0x53: {  	_ =	shalt  }
0x54: {  	_ =	shalt  }
0x55: {  	_ =	shalt  }
0x56: {  	_ =	shalt  }
0x57: {  	_ =	shalt  }
0x58: {  	_ =	shalt  }
0x59: {  	_ =	shalt  }
0x5a: {  	_ =	shalt  }
0x5b: {  	_ =	shalt  }
0x5c: {  	_ =	shalt  }
0x5d: {  	_ =	shalt  }
0x5e: {  	_ =	shalt  }
0x5f: {  	_ =	shalt  }
0x60: {  	_ =	shalt  }
0x61: {  	_ =	shalt  }
0x62: {  	_ =	shalt  }
0x63: {  	_ =	shalt  }
0x64: {  	_ =	shalt  }
0x65: {  	_ =	shalt  }
0x66: {  	_ =	shalt  }
0x67: {  	_ =	shalt  }
0x68: {  	_ =	shalt  }
0x69: {  	_ =	shalt  }
0x6a: {  	_ =	shalt  }
0x6b: {  	_ =	shalt  }
0x6c: {  	_ =	shalt  }
0x6d: {  	_ =	shalt  }
0x6e: {  	_ =	shalt  }
0x6f: {  	_ =	shalt  }
0x70: {  	_ =	shalt  }
0x71: {  	_ =	shalt  }
0x72: {  	_ =	shalt  }
0x73: {  	_ =	shalt  }
0x74: {  	_ =	shalt  }
0x75: {  	_ =	shalt  }
0x76: {  	_ =	shalt  }
0x77: {  	_ =	shalt  }
0x78: {  	_ =	shalt  }
0x79: {  	_ =	shalt  }
0x7a: {  	_ =	shalt  }
0x7b: {  	_ =	shalt  }
0x7c: {  	_ =	shalt  }
0x7d: {  	_ =	shalt  }
0x7e: {  	_ =	shalt  }
0x7f: {  	_ =	shalt  }
0x80: {  	_ =	shalt  }
0x81: {  	_ =	shalt  }
0x82: {  	_ =	shalt  }
0x83: {  	_ =	shalt  }
0x84: {  	_ =	shalt  }
0x85: {  	_ =	shalt  }
0x86: {  	_ =	shalt  }
0x87: {  	_ =	shalt  }
.Lfunc_end0:
.L_simem_size_0:
called_computation.2_lowered:
.L_overlay_start_0:
0x88: {  	s2 =	sld [smem:$0x3FD9]  }
0x89: {  	s3 =	sld [smem:$0x3FFE];
	_ =	sdelay $0x1  }
0x8a: {  	s1 =	srdreg.scid  }
0x8b: {  	s0 =	sand.u32 $0x1, s1  }
0x8c: {  	s14 =	sshll.u32 s0, $0xA;
	s2 =	sadd.s32 s3, s2  }
0x8d: {  	s2 =	sadd.s32 s2, s14  }
0x8e: {  	[smem:$0x3FC2] =	sst s2  }
0x8f: {  	_ = 	snop  }
0x90: {  	s2 =	sld [smem:$0x3FD0];
	_ =	sdelay $0x2  }
0x91: {  	s15 =	simm.s32 $0xA;
	s4 =	simm.s32 $0x10  }
0x92: {  	[smem:s4], [sflag:s15] =	dma.local [hbm:s2], $0x1  }
0x93: {  	_ =	swait.eq [sflag:s15], $0x1  }
0x94: {  	s16 =	sld [smem:$0x10]  }
0x95: {  	s17 =	sld [smem:$0x11]  }
0x96: {  	s5 =	sld [smem:$0x12];
	[sflag:s15] =	ssyncset.done $0x0  }
0x97: {  	s6 =	sld [smem:$0x13];
	[sflag:s15] =	ssyncadd.s32 $0xFFFFFFFF  }
0x98: {  	s18 =	sld [smem:$0x14];
	(tm) =	ssettm $0x1  }
0x99: {  	s7 =	sld [smem:$0x3FFB];
	_ =	sdelay $0x3  }
0x9a: {  	_ =	strace s7  }
0x9b: {  	s7 =	sld [smem:$0x3FFC];
	_ =	sdelay $0x3  }
0x9c: {  	_ =	strace s7  }
0x9d: {  	s7 =	sld [smem:$0x3FFD];
	_ =	sdelay $0x3  }
0x9e: {  	_ =	strace s7  }
0x9f: {  	_ =	strace $0x8FFFFFFF  }
0xa0: {  	s19 =	sld [smem:$0x3FDB];
	_ =	sdelay $0x1  }
0xa1: {  	s8 =	simm.s32 $_scs_section_size  }
0xa2: {  	s9 =	simm.s32 $_size__tile_overlayer_lowered;
	s10 =	simm.s32 $_tile_overlayer_lowered  }
0xa3: {  	s22 =	simm.s32 $0x1BFF;
	s21 =	sshll.u32 s10, $0x1;
	s7 =	sadd.s32 s8, s19  }
0xa4: {  	s11 =	simm.s32 $0x0;
	s20 =	sshll.u32 s9, $0x1;
	s9 =	sadd.s32 s21, s7  }
0xa5: {  	[timem:s11], [sflag:s22] =	dma.local [hbm:s9], s20  }
0xa6: {  	_ =	swait.ge [sflag:s22], s20  }
0xa7: {  	s8 =	ssub.s32 $0x0, s20;
	[sflag:s22] =	ssyncset.done $0x0  }
0xa8: {  	[sflag:s22] =	ssyncadd.s32 s8;
	_ =	sdelay $0x1  }
0xa9: {  	s23 =	simm.s32 $0x1B8B  }
0xaa: {  	_ =	swait.ge [sflag:s23], $0x1  }
0xab: {  	[sflag:s23] =	ssyncset.done $0x0  }
0xac: {  	s25 =	simm.s32 $0x1B8E;
	s24 =	sld [smem:$0x3FFE];
	[sflag:s23] =	ssyncadd.s32 $0xFFFFFFFF  }
0xad: {  	s26 =	simm.s32 $execute0_lowered;
	[smem:$0x3FD2] =	sst s25  }
0xae: {  	s9 =	sshll.u32 s26, $0x1;
	_ =	strace $0x8000004C;
	[dreg:$0x1] =	wrdreg $0xFFFFFFFF  }
0xaf: {  	s28 =	simm.s32 $_size_execute0_lowered;
	s7 =	sadd.s32 s7, s9;
	[dreg:$0x0] =	wrdreg $0x0  }
0xb0: {  	s9 =	sshll.u32 s28, $0x1;
	[dreg:$0x2] =	wrdreg s7  }
0xb1: {  	[dreg:$0x3] =	wrdreg s9  }
0xb2: {  	[dreg:$0x4] =	wrdreg $0xC0  }
0xb3: {  	_ =	task [dreg:s11], $0x5FFFF  }
0xb4: {  	[dreg:$0x1] =	wrdreg $0xFFFFFFFF  }
0xb5: {  	[dreg:$0x0] =	wrdreg $0x60  }
0xb6: {  	[dreg:$0x2] =	wrdreg s16  }
0xb7: {  	[dreg:$0x3] =	wrdreg s24  }
0xb8: {  	[dreg:$0x4] =	wrdreg s17  }
0xb9: {  	[dreg:$0x5] =	wrdreg s6  }
0xba: {  	[dreg:$0x6] =	wrdreg s5  }
0xbb: {  	[dreg:$0x7] =	wrdreg s18  }
0xbc: {  	[dreg:$0x8] =	wrdreg $0x9  }
0xbd: {  	_ =	task.clear_ibuf [dreg:s11], $0x9FFFF;
	_ =	strace $0x9000004C  }
0xbe: {  	s29 =	simm.s32 $0x9;
	_ =	strace $0x8000004E  }
0xbf: {  	_ =	swait.ge [sflag:s29], $0x1  }
0xc0: {  	[sflag:s29] =	ssyncadd.s32 $0xFFFFFFFF  }
0xc1: {  	_ =	strace $0x9000004E  }
0xc2: {  	_ =	sfence  }
0xc3: {  	s30 =	sld [smem:$0x0];
	_ =	sdelay $0x2  }
0xc4: {  	s31 =	sshll.u32 s1, $0xD;
	s1 =	sshrl.u32 s1, $0x2  }
0xc5: {  	s3 =	sand.u32 $0x4000, s31;
	s1 =	sadd.s32 s1, s30  }
0xc6: {  	s0 =	sor.u32 s3, s0;
	s1 =	sshll.u32 s1, $0x11  }
0xc7: {  	s0 =	sor.u32 s1, s0  }
0xc8: {  	s0 =	sadd.s32 $0x8F2B, s0  }
0xc9: {  	[sflag:s0] =	ssyncadd.remote.s32 $0x1  }
0xca: {  	_ =	sfence.sel $0xFFFF  }
0xcb: {  	[dreg:$0x0] =	wrdreg $0xFFFFFFFF;
	(pc) =	sbr.abs _section_cstart, $3  }
0xcc: {  	[dreg:$0x1] =	wrdreg $0xFFFFFFFF  }
0xcd: {  	_ =	task.clear_ibuf [dreg:s11], $0x2FFFF;
	_ =	strace $0x9FFFFFFF  }
0xce: {  	(tm) =	ssettm $0x7FFFFFFF  }
0xcf: {  	_ =	shalt  }
tec
execute0_lowered:
.L_overlay_start_1:
0x0: {  	(tag) =	ssettag $0x1  }
0x1: {  	s0 =	rddreg [dreg:$0x0]  }
0x2: {  	s1 =	rddreg [dreg:$0x1]  }
0x3: {  	s2 =	srdreg.scid;
	s5 =	stileid.u32  }
0x4: {  	s6 =	simm.s32 $0x0;
	s21 =	simm.s32 $0x2;
	s22 =	simm.s32 $0x2800  }
0x5: {  	s23 =	simm.s32 $0x5000;
	s24 =	simm.s32 $0x6500;
	s30 =	simm.s32 $0x14D0  }
0x6: {  	s31 =	simm.s32 $0xB900;
	s19 =	simm.s32 $0x0;
	s2 =	sand.u32 $0x1, s2  }
0x7: {  	s3 =	sshll.u32 s5, $0x1;
	[smem:$0x7FF] =	sst s6;
	s7 =	sadd.s32 $0x29400, s1  }
0x8: {  	s5 =	sshrl.u32 s5, $0x2;
	s8 =	sadd.s32 $0x2EE00, s1;
	s9 =	sadd.s32 $0x10000, s1  }
0x9: {  	s10 =	sadd.s32 $0x10200, s1;
	s3 =	sor.u32 s2, s3;
	s5 =	smul.u32 $0x14000, s5  }
0xa: {  	s11 =	sadd.s32 $0x15600, s1;
	s4 =	smul.u32 $0x29A, s3;
	s3 =	sshll.u32 s3, $0x7  }
0xb: {  	_ =	strace $0x8000004D;
	s2 =	ssub.s32 $0x2, s2;
	s3 =	sand.u32 $0x380, s3  }
0xc: {  	[dreg:$0x7] =	wrdreg s7;
	s29 =	sshrl.u32 s2, $0x1;
	s3 =	sor.u32 s5, s3  }
0xd: {  	s4 =	sadd.s32 s4, s1;
	s1 =	ssub.s32 s2, s29;
	s3 =	sshrl.u32 s3, $0x3  }
0xe: {  	s13 =	sadd.s32 $0x5800, s4;
	s14 =	sadd.s32 $0x400, s4;
	s15 =	sadd.s32 $0xAC00, s4  }
0xf: {  	s16 =	sadd.s32 $0x29A00, s4;
	s17 =	sadd.s32 $0x24000, s4;
	s18 =	smax.u32 s1, $0x1  }
0x10: {  	v0 =	vimm.f32 $0.0e+00;
	s4 =	simm.s32 $0xF800;
	s12 =	sadd.s32 s0, s3;
	s0 =	simm.s32 $0x1  }
.LBB2_1:
0x11: {  	s1 =	simm.s32 $0x80;
	s2 =	simm.s32 $0x400  }
0x12: {  	[tilespmem:s6], [sflag:$0x2] =	stream.strided.gather [hbm4b:s12+s1], $0x2800, s2, s1, $0x38;
	[tilespmem:$0x14C80] =	vst v63  }
0x13: {  	_ =	swait.ge [sflag:s21], $0x2800  }
0x14: {  	[sflag:s21] =	ssyncset.done $0x0  }
0x15: {  	s5 =	rddreg [dreg:$0x7];
	[sflag:s21] =	ssyncadd.s32 $0xFFFFD800  }
0x16: {  	[tilespmem:s22], [sflag:$0x2] =	stream.linear.gather [hbm4b:s5+s6], $0x2800, $0x38;
	[tilespmem:$0x14C80] =	vst v63  }
0x17: {  	_ =	swait.ge [sflag:s21], $0x2800  }
0x18: {  	[sflag:s21] =	ssyncset.done $0x0  }
0x19: {  	[sflag:s21] =	ssyncadd.s32 $0xFFFFD800  }
0x1a: {  	[tilespmem:s23], [sflag:$0x2] =	stream.linear.gather [hbm4b:s13+s6], $0x14D0, $0x38;
	[tilespmem:$0x14C80] =	vst v63  }
0x1b: {  	_ =	swait.ge [sflag:s21], $0x14D0  }
0x1c: {  	[sflag:s21] =	ssyncset.done $0x0  }
0x1d: {  	[sflag:s21] =	ssyncadd.s32 $0xFFFFEB30  }
0x1e: {  	[tilespmem:s24], [sflag:$0x2] =	stream.linear.gather [hbm4b:s14+s6], $0x14D0, $0x38;
	[tilespmem:$0x14C80] =	vst v63  }
0x1f: {  	_ =	swait.ge [sflag:s21], $0x14D0  }
0x20: {  	[sflag:s21] =	ssyncset.done $0x0  }
0x21: {  	s7 =	simm.s32 $0x7A00;
	[sflag:s21] =	ssyncadd.s32 $0xFFFFEB30  }
0x22: {  	[tilespmem:s7], [sflag:$0x2] =	stream.linear.gather [hbm4b:s15+s6], $0x14D0, $0x38;
	[tilespmem:$0x14C80] =	vst v63  }
0x23: {  	_ =	swait.ge [sflag:s21], $0x14D0  }
0x24: {  	[sflag:s21] =	ssyncset.done $0x0  }
0x25: {  	s20 =	simm.s32 $0x8F00;
	[sflag:s21] =	ssyncadd.s32 $0xFFFFEB30  }
0x26: {  	[tilespmem:s20], [sflag:$0x2] =	stream.linear.gather [hbm4b:s16+s6], $0x14D0, $0x38;
	[tilespmem:$0x14C80] =	vst v63  }
0x27: {  	_ =	swait.ge [sflag:s21], $0x14D0  }
0x28: {  	[sflag:s21] =	ssyncset.done $0x0  }
0x29: {  	s25 =	simm.s32 $0xA400;
	[sflag:s21] =	ssyncadd.s32 $0xFFFFEB30  }
0x2a: {  	[tilespmem:s25], [sflag:$0x2] =	stream.linear.gather [hbm4b:s17+s6], $0x14D0, $0x38;
	[tilespmem:$0x14C80] =	vst v63  }
0x2b: {  	_ =	swait.ge [sflag:s21], $0x14D0  }
0x2c: {  	[sflag:s21] =	ssyncset.done $0x0  }
0x2d: {  	s26 =	simm.s32 $0x14C00;
	[sflag:s21] =	ssyncadd.s32 $0xFFFFEB30  }
0x2e: {  	[tilespmem:s26], [sflag:$0x2] =	stream.linear.gather [hbm4b:s9+s6], $0x80, $0x38;
	[tilespmem:$0x14C80] =	vst v63  }
0x2f: {  	_ =	swait.ge [sflag:s21], $0x80  }
0x30: {  	[sflag:s21] =	ssyncset.done $0x0  }
0x31: {  	s28 =	simm.s32 $0x5010;
	[sflag:s21] =	ssyncadd.s32 $0xFFFFFF80  }
0x32: {  	v1 =	vld [tilespmem:s28+$0xFFFFFFF0];
	_ =	sdelay $0x4  }
0x33: {  	(xrf1) =	vunique.msk.u32 $0xffff, v1;
	_ =	sdelay $0xb  }
0x34: {  	v2 =	vld.idx.msk [tilespmem:v1+s6+$0x0], $0xffff;
	_ =	sdelay $0x1  }
0x35: {  	_, v3, vm0 =	vpop (xrf1)  }
0x36: {  	v3 =	vcvt.s32.f32 v3;
	_ =	sdelay $0x1  }
0x37: {  	v2 =	vadd.f32 v3, v2;
	_ =	sdelay $0x1  }
0x38: {  	v3 =	vadd.f32 $-1.000000000e+00, v2;
	_ =	sdelay $0x1  }
0x39: {  	v3 =	vtrunc.f32 v3  }
0x3a: {  	v3 =	vcvt.f32.s32 v3  }
0x3b: {  	s29 =	simm.s32 $0xB910;
	[tilespmem:v1+s6+$0x0] =	vst.idx.msk vm0, v2  }
0x3c: {  	[tilespmem:s29+$0xFFFFFFF0] =	vst v3  }
0x3d: {  	v1 =	vld.idx.msk [tilespmem:v1+s22+$0x0], $0xffff;
	_ =	sdelay $0x4  }
0x3e: {  	v1 =	vadd.f32 $1.000000020e-16, v1;
	_ =	sdelay $0x1  }
0x3f: {  	(erf) = vrcp.f32 v1;
	_ =	sdelay $0x3  }
0x40: {  	s20 =	simm.s32 $0xA410  }
0x41: {  	v1 =	vld [tilespmem:s20+$0xFFFFFFF0];
	_ =	sdelay $0x3  }
0x42: {  	v2 =	vpop (erf)  }
0x43: {  	v1 =	vmul.f32 v2, v1;
	_ =	sdelay $0x1  }
0x44: {  	v1 =	vmax.f32 v1, $9.999999970e-07  }
0x45: {  	s25 =	simm.s32 $0xCE10;
	v1 =	vmin.f32 v1, $9.999989860e-01  }
0x46: {  	[tilespmem:s25+$0xFFFFFFF0] =	vst v1  }
0x47: {  	v1 =	vld [tilespmem:s28+$0x0];
	_ =	sdelay $0x4  }
0x48: {  	(xrf1) =	vunique.msk.u32 $0xffff, v1;
	_ =	sdelay $0xb  }
0x49: {  	v2 =	vld.idx.msk [tilespmem:v1+s6+$0x0], $0xffff;
	_ =	sdelay $0x1  }
0x4a: {  	_, v3, vm15 =	vpop (xrf1)  }
0x4b: {  	v3 =	vcvt.s32.f32 v3;
	_ =	sdelay $0x1  }
0x4c: {  	v2 =	vadd.f32 v3, v2;
	_ =	sdelay $0x1  }
0x4d: {  	v3 =	vadd.f32 $-1.000000000e+00, v2;
	_ =	sdelay $0x1  }
0x4e: {  	v3 =	vtrunc.f32 v3  }
0x4f: {  	v3 =	vcvt.f32.s32 v3  }
0x50: {  	[tilespmem:v1+s6+$0x0] =	vst.idx.msk vm15, v2  }
0x51: {  	[tilespmem:s29+$0x0] =	vst v3  }
0x52: {  	v1 =	vld.idx.msk [tilespmem:v1+s22+$0x0], $0xffff;
	_ =	sdelay $0x4  }
0x53: {  	v1 =	vadd.f32 $1.000000020e-16, v1;
	_ =	sdelay $0x1  }
0x54: {  	(erf) = vrcp.f32 v1;
	_ =	sdelay $0x4  }
0x55: {  	v1 =	vld [tilespmem:s20+$0x0];
	_ =	sdelay $0x3  }
0x56: {  	v2 =	vpop (erf)  }
0x57: {  	v1 =	vmul.f32 v2, v1;
	_ =	sdelay $0x1  }
0x58: {  	v1 =	vmax.f32 v1, $9.999999970e-07  }
0x59: {  	s3 =	simm.s32 $0xB930;
	s1 =	simm.s32 $0x5030;
	s26 =	simm.s32 $0x0;
	v1 =	vmin.f32 v1, $9.999989860e-01  }
.LBB2_2:
0x5a: {  	s26 =	sadd.s32 $0x2, s26;
	[tilespmem:s25+$0x0] =	vst v1;
	s25 =	sadd.s32 $0x20, s25;
	s20 =	sadd.s32 $0x20, s20  }
0x5b: {  	v1 =	vld [tilespmem:s1+$0xFFFFFFF0];
	p0 =	slt.u32 s26, $0x14A;
	_ =	sdelay $0x4  }
0x5c: {  	(xrf1) =	vunique.msk.u32 $0xffff, v1;
	_ =	sdelay $0xa  }
0x5d: {  	v2 =	vld.idx.msk [tilespmem:v1+s6+$0x0], $0xffff;
	_ =	sdelay $0x2  }
0x5e: {  	_, v3, vm0 =	vpop (xrf1)  }
0x5f: {  	v3 =	vcvt.s32.f32 v3;
	_ =	sdelay $0x1  }
0x60: {  	v2 =	vadd.f32 v3, v2;
	_ =	sdelay $0x1  }
0x61: {  	v3 =	vadd.f32 $-1.000000000e+00, v2;
	_ =	sdelay $0x1  }
0x62: {  	v3 =	vtrunc.f32 v3  }
0x63: {  	v3 =	vcvt.f32.s32 v3  }
0x64: {  	[tilespmem:v1+s6+$0x0] =	vst.idx.msk vm0, v2  }
0x65: {  	[tilespmem:s3+$0xFFFFFFF0] =	vst v3  }
0x66: {  	v1 =	vld.idx.msk [tilespmem:v1+s22+$0x0], $0xffff;
	_ =	sdelay $0x5  }
0x67: {  	v1 =	vadd.f32 $1.000000020e-16, v1;
	_ =	sdelay $0x1  }
0x68: {  	(erf) = vrcp.f32 v1;
	_ =	sdelay $0x4  }
0x69: {  	v1 =	vld [tilespmem:s20+$0xFFFFFFF0];
	_ =	sdelay $0x3  }
0x6a: {  	v2 =	vpop (erf)  }
0x6b: {  	v1 =	vmul.f32 v2, v1;
	_ =	sdelay $0x1  }
0x6c: {  	v1 =	vmax.f32 v1, $9.999999970e-07  }
0x6d: {  	v1 =	vmin.f32 v1, $9.999989860e-01  }
0x6e: {  	[tilespmem:s25+$0xFFFFFFF0] =	vst v1  }
0x6f: {  	v1 =	vld [tilespmem:s1+$0x0];
	_ =	sdelay $0x4  }
0x70: {  	(xrf1) =	vunique.msk.u32 $0xffff, v1;
	_ =	sdelay $0xa  }
0x71: {  	v2 =	vld.idx.msk [tilespmem:v1+s6+$0x0], $0xffff;
	_ =	sdelay $0x2  }
0x72: {  	_, v3, vm0 =	vpop (xrf1)  }
0x73: {  	v3 =	vcvt.s32.f32 v3;
	_ =	sdelay $0x1  }
0x74: {  	v2 =	vadd.f32 v3, v2;
	_ =	sdelay $0x1  }
0x75: {  	v3 =	vadd.f32 $-1.000000000e+00, v2  }
0x76: {  	[tilespmem:v1+s6+$0x0] =	vst.idx.msk vm0, v2  }
0x77: {  	v2 =	vtrunc.f32 v3  }
0x78: {  	v2 =	vcvt.f32.s32 v2;
	_ =	sdelay $0x1  }
0x79: {  	[tilespmem:s3+$0x0] =	vst v2  }
0x7a: {  	v1 =	vld.idx.msk [tilespmem:v1+s22+$0x0], $0xffff  }
0x7b: {  	v2 =	vld [tilespmem:s20+$0x0];
	_ =	sdelay $0x4  }
0x7c: {  	v1 =	vadd.f32 $1.000000020e-16, v1;
	_ =	sdelay $0x1  }
0x7d: {  	(erf) = vrcp.f32 v1;
	_ =	sdelay $0x8  }
.Ltmp0:
0x7e: {  	v1 =	vpop (erf);
	(pc) =	sbr.rel @p0 .LBB2_2-.Ltmp0, $3  }
0x7f: {  	v1 =	vmul.f32 v1, v2;
	_ =	sdelay $0x1  }
0x80: {  	v1 =	vmax.f32 v1, $9.999999970e-07  }
0x81: {  	s1 =	sadd.s32 $0x20, s1;
	s3 =	sadd.s32 $0x20, s3;
	v1 =	vmin.f32 v1, $9.999989860e-01  }
0x82: {  	[tilespmem:s25+$0x0] =	vst v1  }
0x83: {  	v1 =	vld [tilespmem:$0x64C0];
	_ =	sdelay $0x4  }
0x84: {  	(xrf1) =	vunique.msk.u32 $0xffff, v1;
	_ =	sdelay $0xb  }
0x85: {  	v2 =	vld.idx.msk [tilespmem:v1+s6+$0x0], $0xffff;
	_ =	sdelay $0x1  }
0x86: {  	_, v3, vm0 =	vpop (xrf1)  }
0x87: {  	v3 =	vcvt.s32.f32 v3;
	_ =	sdelay $0x1  }
0x88: {  	v2 =	vadd.f32 v3, v2;
	_ =	sdelay $0x1  }
0x89: {  	v3 =	vadd.f32 $-1.000000000e+00, v2;
	_ =	sdelay $0x1  }
0x8a: {  	v3 =	vtrunc.f32 v3  }
0x8b: {  	v3 =	vcvt.f32.s32 v3  }
0x8c: {  	[tilespmem:v1+s6+$0x0] =	vst.idx.msk vm0, v2  }
0x8d: {  	[tilespmem:$0xCDC0] =	vst v3  }
0x8e: {  	v1 =	vld.idx.msk [tilespmem:v1+s22+$0x0], $0xffff;
	_ =	sdelay $0x4  }
0x8f: {  	v1 =	vadd.f32 $1.000000020e-16, v1;
	_ =	sdelay $0x1  }
0x90: {  	(erf) = vrcp.f32 v1;
	_ =	sdelay $0x4  }
0x91: {  	v1 =	vld [tilespmem:$0xB8C0];
	_ =	sdelay $0x3  }
0x92: {  	v2 =	vpop (erf)  }
0x93: {  	v1 =	vmul.f32 v2, v1;
	_ =	sdelay $0x1  }
0x94: {  	v1 =	vmax.f32 v1, $9.999999970e-07  }
0x95: {  	v1 =	vmin.f32 v1, $9.999989860e-01  }
0x96: {  	s1 =	simm.s32 $0xE300;
	[tilespmem:$0xE2C0] =	vst v1  }
0x97: {  	[tilespmem:s1], [sflag:$0x1] =	stream.indirect.gather [hbm4b:s8+s30], $0x1, s31, s30, $0xb8;
	[tilespmem:$0x14C80] =	vst v63  }
0x98: {  	_ =	swait.ge [sflag:s0], $0x14D0  }
0x99: {  	[sflag:s0] =	ssyncset.done $0x0  }
0x9a: {  	s1 =	simm.s32 $0xCE10;
	[sflag:s0] =	ssyncadd.s32 $0xFFFFEB30  }
0x9b: {  	v1 =	vld [tilespmem:s1+$0xFFFFFFF0];
	_ =	sdelay $0x2  }
0x9c: {  	s2 =	simm.s32 $0xE310  }
0x9d: {  	v2 =	vld [tilespmem:s2+$0xFFFFFFF0]  }
0x9e: {  	v3 =	vsub.f32 $1.000000000e+00, v1;
	_ =	sdelay $0x1  }
0x9f: {  	v3 =	vmul.f32 v3, v3;
	_ =	sdelay $0x1  }
0xa0: {  	v1 =	vmul.f32 v1, v1;
	v2 =	vmul.f32 v3, v2;
	_ =	sdelay $0x1  }
0xa1: {  	v2 =	vadd.f32 v2, v1;
	_ =	sdelay $0x1  }
0xa2: {  	(erf) = vrcp.f32 v2;
	_ =	sdelay $0x8  }
0xa3: {  	v2 =	vpop (erf)  }
0xa4: {  	s5 =	simm.s32 $0x7A10;
	v2 =	vmul.f32 v2, v1  }
0xa5: {  	s3 =	simm.s32 $0x8F10;
	v4 =	vld [tilespmem:s5+$0xFFFFFFF0]  }
0xa6: {  	v3 =	vld [tilespmem:s3+$0xFFFFFFF0];
	vm10 =	vgt.f32 v2, $5.000000000e-01  }
0xa7: {  	v5 =	vsel vm10, $0x3F800000, v0  }
0xa8: {  	v1 =	vld [tilespmem:$0x14C00];
	v5 =	vsub.f32 v5, v2;
	_ =	sdelay $0x1  }
0xa9: {  	v5 =	vadd.f32 v5, v2  }
0xaa: {  	s7 =	simm.s32 $0xF810;
	vm2 =	veq.f32 v4, $0.0e+00;
	vm1 =	veq.f32 v3, $0.0e+00  }
0xab: {  	s26 =	simm.s32 $0x10D10;
	[tilespmem:s7+$0xFFFFFFF0] =	vst v2;
	vm0 =	vmand vm1, vm10;
	v2 =	vsel vm2, v5, v4  }
0xac: {  	s28 =	simm.s32 $0x12210;
	[tilespmem:s26+$0xFFFFFFF0] =	vst v2;
	v2 =	vsel vm0, v1, v3  }
0xad: {  	s20 =	simm.s32 $0x5010;
	[tilespmem:s28+$0xFFFFFFF0] =	vst v2  }
0xae: {  	v2 =	vld [tilespmem:s20+$0xFFFFFFF0];
	_ =	sdelay $0x3  }
0xaf: {  	vm11 =	veq.f32 v3, $-1.000000000e+00  }
0xb0: {  	s25 =	simm.s32 $0x13710;
	v2 =	vnsel vm11, $0x2710, v2  }
0xb1: {  	[tilespmem:s25+$0xFFFFFFF0] =	vst v2  }
0xb2: {  	v2 =	vld [tilespmem:s1+$0x0];
	_ =	sdelay $0x3  }
0xb3: {  	v3 =	vld [tilespmem:s2+$0x0]  }
0xb4: {  	v61 =	vsub.f32 $1.000000000e+00, v2;
	_ =	sdelay $0x1  }
0xb5: {  	v4 =	vmul.f32 v61, v61;
	_ =	sdelay $0x1  }
0xb6: {  	v2 =	vmul.f32 v2, v2;
	v3 =	vmul.f32 v4, v3;
	_ =	sdelay $0x1  }
0xb7: {  	v3 =	vadd.f32 v3, v2;
	_ =	sdelay $0x1  }
0xb8: {  	(erf) = vrcp.f32 v3;
	_ =	sdelay $0x8  }
0xb9: {  	v3 =	vpop (erf)  }
0xba: {  	v2 =	vmul.f32 v3, v2  }
0xbb: {  	v62 =	vld [tilespmem:s5+$0x0]  }
0xbc: {  	v3 =	vld [tilespmem:s3+$0x0];
	vm12 =	vgt.f32 v2, $5.000000000e-01  }
0xbd: {  	v63 =	vsel vm12, $0x3F800000, v0  }
0xbe: {  	v5 =	vsub.f32 v63, v2;
	_ =	sdelay $0x1  }
0xbf: {  	v5 =	vadd.f32 v5, v2  }
0xc0: {  	vm14 =	veq.f32 v62, $0.0e+00;
	vm13 =	veq.f32 v3, $0.0e+00  }
0xc1: {  	[tilespmem:s7+$0x0] =	vst v2;
	vm0 =	vmand vm13, vm12;
	v2 =	vsel vm14, v5, v62  }
0xc2: {  	[tilespmem:s26+$0x0] =	vst v2;
	v2 =	vsel vm0, v1, v3  }
0xc3: {  	[tilespmem:s28+$0x0] =	vst v2  }
0xc4: {  	v2 =	vld [tilespmem:s20+$0x0];
	_ =	sdelay $0x2  }
0xc5: {  	s29 =	simm.s32 $0x8F30;
	s1 =	simm.s32 $0xE330  }
0xc6: {  	s2 =	simm.s32 $0x12230;
	s5 =	simm.s32 $0x10D30;
	s3 =	simm.s32 $0x7A30;
	vm15 =	veq.f32 v3, $-1.000000000e+00  }
0xc7: {  	s7 =	simm.s32 $0xF830;
	s26 =	simm.s32 $0x0;
	s28 =	simm.s32 $0xCE30;
	v2 =	vnsel vm15, $0x2710, v2  }
.LBB2_4:
0xc8: {  	s26 =	sadd.s32 $0x2, s26;
	[tilespmem:s25+$0x0] =	vst v2;
	s25 =	sadd.s32 $0x20, s25;
	s20 =	sadd.s32 $0x20, s20  }
0xc9: {  	v2 =	vld [tilespmem:s28+$0xFFFFFFF0];
	p0 =	slt.u32 s26, $0x14A;
	_ =	sdelay $0x3  }
0xca: {  	v3 =	vld [tilespmem:s1+$0xFFFFFFF0]  }
0xcb: {  	v4 =	vsub.f32 $1.000000000e+00, v2;
	_ =	sdelay $0x1  }
0xcc: {  	v4 =	vmul.f32 v4, v4;
	_ =	sdelay $0x1  }
0xcd: {  	v2 =	vmul.f32 v2, v2;
	v3 =	vmul.f32 v4, v3;
	_ =	sdelay $0x1  }
0xce: {  	v3 =	vadd.f32 v3, v2;
	_ =	sdelay $0x1  }
0xcf: {  	(erf) = vrcp.f32 v3;
	_ =	sdelay $0x6  }
0xd0: {  	v3 =	vld [tilespmem:s29+$0xFFFFFFF0];
	_ =	sdelay $0x1  }
0xd1: {  	v4 =	vpop (erf)  }
0xd2: {  	v2 =	vmul.f32 v4, v2;
	_ =	sdelay $0x1  }
0xd3: {  	vm0 =	vgt.f32 v2, $5.000000000e-01;
	v4 =	vld [tilespmem:s3+$0xFFFFFFF0];
	vm1 =	veq.f32 v3, $0.0e+00  }
0xd4: {  	v5 =	vsel vm0, $0x3F800000, v0;
	vm0 =	vmand vm1, vm0  }
0xd5: {  	v5 =	vsub.f32 v5, v2;
	_ =	sdelay $0x1  }
0xd6: {  	v5 =	vadd.f32 v5, v2  }
0xd7: {  	vm1 =	veq.f32 v4, $0.0e+00  }
0xd8: {  	[tilespmem:s7+$0xFFFFFFF0] =	vst v2;
	v2 =	vsel vm1, v5, v4  }
0xd9: {  	[tilespmem:s5+$0xFFFFFFF0] =	vst v2;
	v2 =	vsel vm0, v1, v3  }
0xda: {  	[tilespmem:s2+$0xFFFFFFF0] =	vst v2  }
0xdb: {  	v2 =	vld [tilespmem:s20+$0xFFFFFFF0];
	_ =	sdelay $0x3  }
0xdc: {  	vm0 =	veq.f32 v3, $-1.000000000e+00  }
0xdd: {  	v2 =	vnsel vm0, $0x2710, v2  }
0xde: {  	[tilespmem:s25+$0xFFFFFFF0] =	vst v2  }
0xdf: {  	v2 =	vld [tilespmem:s28+$0x0];
	_ =	sdelay $0x3  }
0xe0: {  	v3 =	vld [tilespmem:s1+$0x0]  }
0xe1: {  	v4 =	vsub.f32 $1.000000000e+00, v2;
	_ =	sdelay $0x1  }
0xe2: {  	v4 =	vmul.f32 v4, v4;
	_ =	sdelay $0x1  }
0xe3: {  	v2 =	vmul.f32 v2, v2;
	v3 =	vmul.f32 v4, v3;
	_ =	sdelay $0x1  }
0xe4: {  	v3 =	vadd.f32 v3, v2;
	_ =	sdelay $0x1  }
0xe5: {  	(erf) = vrcp.f32 v3;
	_ =	sdelay $0x6  }
0xe6: {  	v3 =	vld [tilespmem:s29+$0x0];
	_ =	sdelay $0x1  }
0xe7: {  	v4 =	vpop (erf)  }
0xe8: {  	v2 =	vmul.f32 v4, v2  }
0xe9: {  	v4 =	vld [tilespmem:s3+$0x0]  }
0xea: {  	vm0 =	vgt.f32 v2, $5.000000000e-01;
	[tilespmem:s7+$0x0] =	vst v2;
	vm1 =	veq.f32 v3, $0.0e+00  }
0xeb: {  	v5 =	vsel vm0, $0x3F800000, v0;
	vm0 =	vmand vm1, vm0  }
0xec: {  	v5 =	vsub.f32 v5, v2;
	_ =	sdelay $0x1  }
0xed: {  	v2 =	vadd.f32 v5, v2  }
0xee: {  	vm1 =	veq.f32 v4, $0.0e+00  }
0xef: {  	v2 =	vsel vm1, v2, v4  }
0xf0: {  	[tilespmem:s5+$0x0] =	vst v2;
	v2 =	vsel vm0, v1, v3  }
0xf1: {  	[tilespmem:s2+$0x0] =	vst v2  }
0xf2: {  	v2 =	vld [tilespmem:s20+$0x0]  }
.Ltmp1:
0xf3: {  	(pc) =	sbr.rel @p0 .LBB2_4-.Ltmp1, $4  }
0xf4: {  	_ = 	snop  }
0xf5: {  	s28 =	sadd.s32 $0x20, s28  }
0xf6: {  	s1 =	sadd.s32 $0x20, s1;
	s29 =	sadd.s32 $0x20, s29;
	s3 =	sadd.s32 $0x20, s3;
	vm0 =	veq.f32 v3, $-1.000000000e+00  }
0xf7: {  	s7 =	sadd.s32 $0x20, s7;
	s5 =	sadd.s32 $0x20, s5;
	s2 =	sadd.s32 $0x20, s2;
	v2 =	vnsel vm0, $0x2710, v2  }
0xf8: {  	[tilespmem:s25+$0x0] =	vst v2  }
0xf9: {  	v2 =	vld [tilespmem:$0xE2C0];
	_ =	sdelay $0x3  }
0xfa: {  	v3 =	vld [tilespmem:$0xF7C0]  }
0xfb: {  	v4 =	vsub.f32 $1.000000000e+00, v2;
	_ =	sdelay $0x1  }
0xfc: {  	v4 =	vmul.f32 v4, v4;
	_ =	sdelay $0x1  }
0xfd: {  	v2 =	vmul.f32 v2, v2;
	v3 =	vmul.f32 v4, v3;
	_ =	sdelay $0x1  }
0xfe: {  	v3 =	vadd.f32 v3, v2;
	_ =	sdelay $0x1  }
0xff: {  	(erf) = vrcp.f32 v3;
	_ =	sdelay $0x8  }
0x100: {  	v63 =	vld [tilespmem:$0xA3C0];
	v3 =	vpop (erf)  }
0x101: {  	v2 =	vmul.f32 v3, v2  }
0x102: {  	v6 =	vld [tilespmem:$0x64C0]  }
0x103: {  	v3 =	vld [tilespmem:$0x8EC0];
	vm0 =	vgt.f32 v2, $5.000000000e-01  }
0x104: {  	v5 =	vsel vm0, $0x3F800000, v0  }
0x105: {  	vm2 =	veq.f32 v63, $0.0e+00;
	v5 =	vsub.f32 v5, v2  }
0x106: {  	vm0 =	vmand vm2, vm0  }
0x107: {  	vm15 =	veq.f32 v63, $-1.000000000e+00;
	[tilespmem:$0x10CC0] =	vst v2;
	v1 =	vsel vm0, v1, v63;
	v5 =	vadd.f32 v5, v2  }
0x108: {  	vm1 =	veq.f32 v3, $0.0e+00;
	[tilespmem:$0x136C0] =	vst v1;
	v1 =	vnsel vm15, $0x2710, v6  }
0x109: {  	[tilespmem:$0x14BC0] =	vst v1;
	v3 =	vsel vm1, v5, v3  }
0x10a: {  	[tilespmem:$0x121C0] =	vst v3  }
0x10b: {  	[hbm4b:s10+s30] =	stream.indirect.scatter [tilespmem:s24], [sflag:$0x2], $0x1, s31, s30, $0xb8;
	[tilespmem:$0x14C80] =	vst v63  }
0x10c: {  	_ =	swait.ge [sflag:s21], $0x14D0  }
0x10d: {  	[sflag:s21] =	ssyncset.done $0x0  }
0x10e: {  	[sflag:s21] =	ssyncadd.s32 $0xFFFFEB30  }
0x10f: {  	[hbm4b:s11+s30] =	stream.indirect.scatter [tilespmem:s23], [sflag:$0x2], $0x1, s31, s30, $0xb8;
	[tilespmem:$0x14C80] =	vst v63  }
0x110: {  	_ =	swait.ge [sflag:s21], $0x14D0  }
0x111: {  	[sflag:s21] =	ssyncset.done $0x0  }
0x112: {  	[sflag:s21] =	ssyncadd.s32 $0xFFFFEB30  }
0x113: {  	s2 =	simm.s32 $0x10D00;
	s1 =	rddreg [dreg:$0x2]  }
0x114: {  	[hbm4b:s1+s30] =	stream.indirect.scatter [tilespmem:s2], [sflag:$0x2], $0x1, s31, s30, $0xb8;
	[tilespmem:$0x14C80] =	vst v63  }
0x115: {  	_ =	swait.ge [sflag:s21], $0x14D0  }
0x116: {  	[sflag:s21] =	ssyncset.done $0x0  }
0x117: {  	[sflag:s21] =	ssyncadd.s32 $0xFFFFEB30  }
0x118: {  	s25 =	simm.s32 $0x12200;
	s20 =	rddreg [dreg:$0x3]  }
0x119: {  	[hbm4b:s20+s30] =	stream.indirect.scatter [tilespmem:s25], [sflag:$0x2], $0x1, s31, s30, $0xb8;
	[tilespmem:$0x14C80] =	vst v63  }
0x11a: {  	_ =	swait.ge [sflag:s21], $0x14D0  }
0x11b: {  	[sflag:s21] =	ssyncset.done $0x0  }
0x11c: {  	[sflag:s21] =	ssyncadd.s32 $0xFFFFEB30  }
0x11d: {  	s26 =	rddreg [dreg:$0x4]  }
0x11e: {  	[hbm4b:s26+s30] =	stream.indirect.scatter [tilespmem:s4], [sflag:$0x2], $0x1, s31, s30, $0xb8;
	[tilespmem:$0x14C80] =	vst v63  }
0x11f: {  	_ =	swait.ge [sflag:s21], $0x14D0  }
0x120: {  	s19 =	sadd.s32 $0x1, s19;
	[sflag:s21] =	ssyncset.done $0x0  }
0x121: {  	p0 =	sne.s32 s19, s18;
	[sflag:s21] =	ssyncadd.s32 $0xFFFFEB30  }
.Ltmp2:
0x122: {  	s29 =	simm.s32 $0x13700;
	s28 =	rddreg [dreg:$0x5];
	(pc) =	sbr.rel @p0 .LBB2_1-.Ltmp2, $4  }
0x123: {  	[hbm4b:s28+s30] =	stream.indirect.scatter [tilespmem:s4], [sflag:$0x2], $0x1, s29, s30, $0xb8;
	[tilespmem:$0x14C80] =	vst v63  }
0x124: {  	_ =	swait.ge [sflag:s21], $0x14D0  }
0x125: {  	[sflag:s21] =	ssyncset.done $0x0  }
0x126: {  	[sflag:s21] =	ssyncadd.s32 $0xFFFFEB30  }
0x127: {  	_ =	sfence.sel $0x180000  }
0x128: {  	[bflag:$0x0] =	sbarrier.arrive $0xFFFF  }
0x129: {  	_ =	strace $0x9000004D  }
0x12a: {  	s0 =	stileid.u32;
	[bflag:$0x2] =	sbarrier.arrive $0xFFFF  }
0x12b: {  	p0 =	sne.s32 s0, $0x0;
	s0 =	rddreg [dreg:$0x6]  }
0x12c: {  	s0 =	sadd.s32 @!p0 $0x100000, s0  }
0x12d: {  	[sflag:s0] =	ssyncadd.tile.s32 @!p0 $0x1;
	_ =	shalt  }
.Lfunc_end2:
_tile_overlayer_lowered:
.L_overlay_start_2:
0x12e: {  	(tag) =	ssettag $0x2  }
0x12f: {  	s0 =	rddreg [dreg:$0x0];
	s2 =	stileid.u32  }
0x130: {  	s1 =	rddreg [dreg:$0x1];
	p0 =	sne.s32 s2, $0x0  }
0x131: {  	s3 =	rddreg [dreg:$0x2];
	[bflag:$0x3] =	sbarrier.arrive $0xFFFF;
	s2 =	simm.s32 @!p0 $0x1C02  }
0x132: {  	[timem:s3], [sflag:s2] =	dma.local @!p0 [hbm:s0], s1  }
0x133: {  	s0 =	simm.s32 @!p0 $0x2  }
0x134: {  	_ =	swait.ge @!p0 [sflag:s0], s1  }
0x135: {  	s1 =	ssub.s32 @!p0 $0x0, s1;
	[sflag:s0] =	ssyncset.done @!p0 $0x0  }
0x136: {  	[sflag:s0] =	ssyncadd.s32 @!p0 s1  }
0x137: {  	[bflag:$0x3] =	sbarrier.arrive $0xFFFF  }
0x138: {  	_ =	shalt  }

// kernel: kernel.6.cloned.1.call-start
scs
__scs_entry_jumppad:
0x0: {  	(pc) =	sbr.rel $0x88, $3  }
0x1: {  	(tag) =	ssettag $0x0;
	lr =	simm.s32 $0x1  }
0x2: {  	[smem:$0x3F9B] =	sst lr;
	_ =	strace $0xD0000000  }
0x3: {  	_ = 	snop  }
0x4: {  	_ = 	snop  }
0x5: {  	_ = 	snop  }
0x6: {  	_ = 	snop  }
0x7: {  	_ = 	snop  }
__scs_overlays_trampoline_lowered:
0x8: {  	[smem:$0x3FAA] =	sst s0  }
0x9: {  	[smem:$0x3FAB] =	sst s1  }
0xa: {  	[smem:$0x3FAC] =	sst s2  }
0xb: {  	[smem:$0x3FAD] =	sst s3  }
0xc: {  	[smem:$0x3FAE] =	sst s4  }
0xd: {  	[smem:$0x3FAF] =	sst s5  }
0xe: {  	[smem:$0x3FB0] =	sst s6  }
0xf: {  	[smem:$0x3FB1] =	sst s7  }
0x10: {  	[smem:$0x3FB2] =	sst s8  }
0x11: {  	[smem:$0x3FB3] =	sst s9;
	s0 =	simm.s32 @!p0 $0x0  }
0x12: {  	s1 =	sld [smem:$0x3F99];
	s0 =	simm.s32 @p0 $0x1  }
0x13: {  	[smem:$0x3FB4] =	sst s0;
	s0 =	simm.s32 @!p1 $0x0  }
0x14: {  	s2 =	sld [smem:$0x3F98];
	s0 =	simm.s32 @p1 $0x1  }
0x15: {  	[smem:$0x3FB5] =	sst s0;
	s0 =	simm.s32 @!p2 $0x0  }
0x16: {  	s3 =	sld [smem:$0x3FDB];
	s0 =	simm.s32 @p2 $0x1  }
0x17: {  	s4 =	simm.s32 $0x1BF5;
	[smem:$0x3FB7] =	sst s0  }
0x18: {  	s0 =	sld [smem:$0x3F9A];
	_ =	swait.ge [sflag:s4], $0x0  }
0x19: {  	s7 =	sld [smem:$0x3F9B]  }
0x1a: {  	s8 =	sadd.s32 $0xFFFFE003, lr  }
0x1b: {  	s9 =	sadd.s32 $0xFFFFFEF7, lr;
	s5 =	simm.s32 $0xFFFFFFFF;
	p2 =	slt.u32 s8, $0xFFFFF086  }
0x1c: {  	p1 =	slt.u32 s9, $0xF7A;
	s5 =	simm.s32 @!p2 $0x0  }
0x1d: {  	s5 =	simm.s32 @p1 $0x1;
	p0 =	seq.s32 s7, s2  }
0x1e: {  	s7 =	smul.u32 @!p0 $0xF7A, s2;
	p2 =	seq.s32 @!p0 s5, $0x0  }
0x1f: {  	s9 =	smul.u32 $0xF7A, s1;
	s8 =	simm.s32 @!p0 $0x1BF5;
	p2 =	por !p2, p0  }
0x20: {  	[sflag:s8] =	ssyncset.s32 @!p0 $0xFFFFF086;
	s6 =	sadd.s32 @!p0 s3, s7;
	s7 =	simm.s32 @!p0 $0x108  }
0x21: {  	s3 =	sadd.s32 s3, s9;
	s6 =	sadd.s32 @!p0 $0x88, s6;
	s7 =	simm.s32 @p2 $0x1082  }
0x22: {  	[simem:s7], [sflag:s8] =	dma.local @!p0 [hbm:s6], $0xF7A  }
0x23: {  	s9 =	sor.u32 $0xD0000000, s2;
	s6 =	simm.s32 $0x108;
	_ =	swait.ge @!p0 [sflag:s8], $0x0  }
0x24: {  	s3 =	sadd.s32 $0x88, s3;
	s6 =	simm.s32 @!p1 $0x1082;
	[sflag:s4] =	ssyncset.s32 $0xFFFFF086  }
0x25: {  	[simem:s6], [sflag:s4] =	dma.local [hbm:s3], $0xF7A  }
0x26: {  	[smem:$0x3F9B] =	sst s1;
	(tag) =	ssettag s2;
	_ =	strace s9  }
0x27: {  	s1 =	sld [smem:$0x3FAB]  }
0x28: {  	s2 =	sld [smem:$0x3FAC]  }
0x29: {  	s4 =	sld [smem:$0x3FAE]  }
0x2a: {  	p0 =	seq.s32 s5, $0x0;
	s5 =	sld [smem:$0x3FAF]  }
0x2b: {  	s6 =	sld [smem:$0x3FB0]  }
0x2c: {  	s7 =	sld [smem:$0x3FB1]  }
0x2d: {  	s3 =	simm.s32 $0x108;
	s8 =	sld [smem:$0x3FB2]  }
0x2e: {  	s3 =	simm.s32 @!p0 $0x1082;
	s9 =	sld [smem:$0x3FB3]  }
0x2f: {  	lr =	sadd.s32 s0, s3;
	s0 =	sld [smem:$0x3FAA]  }
0x30: {  	s3 =	sld [smem:$0x3FAD]  }
0x31: {  	[smem:$0x3FB6] =	sst s10  }
0x32: {  	s10 =	sld [smem:$0x3FB4];
	_ =	sdelay $0x3  }
0x33: {  	p0 =	seq.s32 s10, $0x1;
	s10 =	sld [smem:$0x3FB6];
	_ =	sdelay $0x3  }
0x34: {  	[smem:$0x3FB6] =	sst s10  }
0x35: {  	s10 =	sld [smem:$0x3FB5];
	_ =	sdelay $0x3  }
0x36: {  	p1 =	seq.s32 s10, $0x1;
	s10 =	sld [smem:$0x3FB6];
	_ =	sdelay $0x3  }
0x37: {  	[smem:$0x3FB6] =	sst s10  }
0x38: {  	s10 =	sld [smem:$0x3FB7]  }
0x39: {  	_ = 	snop;
	(pc) =	sbr.ind lr, $3  }
0x3a: {  	_ = 	snop  }
0x3b: {  	_ = 	snop  }
0x3c: {  	p2 =	seq.s32 s10, $0x1;
	s10 =	sld [smem:$0x3FB6]  }
0x3d: {  	_ =	shalt  }
0x3e: {  	_ =	shalt  }
0x3f: {  	_ =	shalt  }
0x40: {  	_ =	shalt  }
0x41: {  	_ =	shalt  }
0x42: {  	_ =	shalt  }
0x43: {  	_ =	shalt  }
0x44: {  	_ =	shalt  }
0x45: {  	_ =	shalt  }
0x46: {  	_ =	shalt  }
0x47: {  	_ =	shalt  }
0x48: {  	_ =	shalt  }
0x49: {  	_ =	shalt  }
0x4a: {  	_ =	shalt  }
0x4b: {  	_ =	shalt  }
0x4c: {  	_ =	shalt  }
0x4d: {  	_ =	shalt  }
0x4e: {  	_ =	shalt  }
0x4f: {  	_ =	shalt  }
0x50: {  	_ =	shalt  }
0x51: {  	_ =	shalt  }
0x52: {  	_ =	shalt  }
0x53: {  	_ =	shalt  }
0x54: {  	_ =	shalt  }
0x55: {  	_ =	shalt  }
0x56: {  	_ =	shalt  }
0x57: {  	_ =	shalt  }
0x58: {  	_ =	shalt  }
0x59: {  	_ =	shalt  }
0x5a: {  	_ =	shalt  }
0x5b: {  	_ =	shalt  }
0x5c: {  	_ =	shalt  }
0x5d: {  	_ =	shalt  }
0x5e: {  	_ =	shalt  }
0x5f: {  	_ =	shalt  }
0x60: {  	_ =	shalt  }
0x61: {  	_ =	shalt  }
0x62: {  	_ =	shalt  }
0x63: {  	_ =	shalt  }
0x64: {  	_ =	shalt  }
0x65: {  	_ =	shalt  }
0x66: {  	_ =	shalt  }
0x67: {  	_ =	shalt  }
0x68: {  	_ =	shalt  }
0x69: {  	_ =	shalt  }
0x6a: {  	_ =	shalt  }
0x6b: {  	_ =	shalt  }
0x6c: {  	_ =	shalt  }
0x6d: {  	_ =	shalt  }
0x6e: {  	_ =	shalt  }
0x6f: {  	_ =	shalt  }
0x70: {  	_ =	shalt  }
0x71: {  	_ =	shalt  }
0x72: {  	_ =	shalt  }
0x73: {  	_ =	shalt  }
0x74: {  	_ =	shalt  }
0x75: {  	_ =	shalt  }
0x76: {  	_ =	shalt  }
0x77: {  	_ =	shalt  }
0x78: {  	_ =	shalt  }
0x79: {  	_ =	shalt  }
0x7a: {  	_ =	shalt  }
0x7b: {  	_ =	shalt  }
0x7c: {  	_ =	shalt  }
0x7d: {  	_ =	shalt  }
0x7e: {  	_ =	shalt  }
0x7f: {  	_ =	shalt  }
0x80: {  	_ =	shalt  }
0x81: {  	_ =	shalt  }
0x82: {  	_ =	shalt  }
0x83: {  	_ =	shalt  }
0x84: {  	_ =	shalt  }
0x85: {  	_ =	shalt  }
0x86: {  	_ =	shalt  }
0x87: {  	_ =	shalt  }
.Lfunc_end0:
.L_simem_size_0:
called_computation_lowered:
.L_overlay_start_0:
0x88: {  	s2 =	sld [smem:$0x3FD9]  }
0x89: {  	s3 =	sld [smem:$0x3FFE];
	_ =	sdelay $0x1  }
0x8a: {  	s1 =	srdreg.scid  }
0x8b: {  	s0 =	sand.u32 $0x1, s1  }
0x8c: {  	s14 =	sshll.u32 s0, $0xA;
	s2 =	sadd.s32 s3, s2  }
0x8d: {  	s2 =	sadd.s32 s2, s14  }
0x8e: {  	[smem:$0x3FC2] =	sst s2  }
0x8f: {  	_ = 	snop  }
0x90: {  	s2 =	sld [smem:$0x3FD0];
	_ =	sdelay $0x2  }
0x91: {  	s15 =	simm.s32 $0xA;
	s4 =	simm.s32 $0x10  }
0x92: {  	[smem:s4], [sflag:s15] =	dma.local [hbm:s2], $0x1  }
0x93: {  	_ =	swait.eq [sflag:s15], $0x1  }
0x94: {  	[sflag:s15] =	ssyncset.done $0x0  }
0x95: {  	s16 =	sld [smem:$0x12];
	[sflag:s15] =	ssyncadd.s32 $0xFFFFFFFF  }
0x96: {  	s17 =	sld [smem:$0x14];
	(tm) =	ssettm $0x1  }
0x97: {  	s18 =	sld [smem:$0x3FFB];
	_ =	sdelay $0x3  }
0x98: {  	_ =	strace s18  }
0x99: {  	s4 =	sld [smem:$0x3FFC];
	_ =	sdelay $0x3  }
0x9a: {  	_ =	strace s4  }
0x9b: {  	s4 =	sld [smem:$0x3FFD];
	_ =	sdelay $0x3  }
0x9c: {  	_ =	strace s4  }
0x9d: {  	_ =	strace $0x8FFFFFFF  }
0x9e: {  	s19 =	sld [smem:$0x3FDB];
	_ =	sdelay $0x1  }
0x9f: {  	s5 =	simm.s32 $_scs_section_size  }
0xa0: {  	s6 =	simm.s32 $_size__tile_overlayer_lowered;
	s7 =	simm.s32 $_tile_overlayer_lowered  }
0xa1: {  	s22 =	simm.s32 $0x1BFF;
	s21 =	sshll.u32 s7, $0x1;
	s4 =	sadd.s32 s5, s19  }
0xa2: {  	s8 =	simm.s32 $0x0;
	s20 =	sshll.u32 s6, $0x1;
	s6 =	sadd.s32 s21, s4  }
0xa3: {  	[timem:s8], [sflag:s22] =	dma.local [hbm:s6], s20  }
0xa4: {  	_ =	swait.ge [sflag:s22], s20  }
0xa5: {  	s5 =	ssub.s32 $0x0, s20;
	[sflag:s22] =	ssyncset.done $0x0  }
0xa6: {  	[sflag:s22] =	ssyncadd.s32 s5;
	_ =	sdelay $0x1  }
0xa7: {  	s23 =	simm.s32 $0x1B8B  }
0xa8: {  	_ =	swait.ge [sflag:s23], $0x1  }
0xa9: {  	[sflag:s23] =	ssyncset.done $0x0  }
0xaa: {  	s25 =	simm.s32 $0x1B8E;
	s24 =	sld [smem:$0x3FFE];
	[sflag:s23] =	ssyncadd.s32 $0xFFFFFFFF  }
0xab: {  	s26 =	simm.s32 $execute0_lowered;
	[smem:$0x3FD2] =	sst s25  }
0xac: {  	s6 =	sshll.u32 s26, $0x1;
	_ =	strace $0x80000046;
	[dreg:$0x1] =	wrdreg $0xFFFFFFFF  }
0xad: {  	s28 =	simm.s32 $_size_execute0_lowered;
	s4 =	sadd.s32 s4, s6;
	[dreg:$0x0] =	wrdreg $0x0  }
0xae: {  	s6 =	sshll.u32 s28, $0x1;
	[dreg:$0x2] =	wrdreg s4  }
0xaf: {  	[dreg:$0x3] =	wrdreg s6  }
0xb0: {  	[dreg:$0x4] =	wrdreg $0xC0  }
0xb1: {  	_ =	task [dreg:s8], $0x5FFFF  }
0xb2: {  	[dreg:$0x1] =	wrdreg $0xFFFFFFFF  }
0xb3: {  	[dreg:$0x0] =	wrdreg $0x60  }
0xb4: {  	[dreg:$0x2] =	wrdreg s17  }
0xb5: {  	[dreg:$0x3] =	wrdreg s16  }
0xb6: {  	[dreg:$0x4] =	wrdreg s24  }
0xb7: {  	[dreg:$0x5] =	wrdreg $0x9  }
0xb8: {  	_ =	task.clear_ibuf [dreg:s8], $0x6FFFF;
	_ =	strace $0x90000046  }
0xb9: {  	s29 =	simm.s32 $0x9;
	_ =	strace $0x80000048  }
0xba: {  	_ =	swait.ge [sflag:s29], $0x1  }
0xbb: {  	[sflag:s29] =	ssyncadd.s32 $0xFFFFFFFF  }
0xbc: {  	_ =	strace $0x90000048  }
0xbd: {  	_ =	sfence  }
0xbe: {  	s30 =	sld [smem:$0x0];
	_ =	sdelay $0x2  }
0xbf: {  	s31 =	sshll.u32 s1, $0xD;
	s1 =	sshrl.u32 s1, $0x2  }
0xc0: {  	s3 =	sand.u32 $0x4000, s31;
	s1 =	sadd.s32 s1, s30  }
0xc1: {  	s0 =	sor.u32 s3, s0;
	s1 =	sshll.u32 s1, $0x11  }
0xc2: {  	s0 =	sor.u32 s1, s0  }
0xc3: {  	s0 =	sadd.s32 $0x8F2B, s0  }
0xc4: {  	[sflag:s0] =	ssyncadd.remote.s32 $0x1  }
0xc5: {  	_ =	sfence.sel $0xFFFF  }
0xc6: {  	[dreg:$0x0] =	wrdreg $0xFFFFFFFF;
	(pc) =	sbr.abs _section_cstart, $3  }
0xc7: {  	[dreg:$0x1] =	wrdreg $0xFFFFFFFF  }
0xc8: {  	_ =	task.clear_ibuf [dreg:s8], $0x2FFFF;
	_ =	strace $0x9FFFFFFF  }
0xc9: {  	(tm) =	ssettm $0x7FFFFFFF  }
tec
execute0_lowered:
.L_overlay_start_1:
0x0: {  	(tag) =	ssettag $0x1  }
0x1: {  	s1 =	rddreg [dreg:$0x0]  }
0x2: {  	s3 =	rddreg [dreg:$0x1];
	s2 =	srdreg.scid  }
0x3: {  	s0 =	stileid.u32;
	s5 =	rddreg [dreg:$0x2];
	s13 =	simm.s32 $0x2800  }
0x4: {  	s14 =	simm.s32 $0x5000;
	s15 =	simm.s32 $0x6500;
	s16 =	simm.s32 $0x7A00  }
0x5: {  	s17 =	simm.s32 $0xA400;
	s18 =	simm.s32 $0xCC00;
	s19 =	simm.s32 $0x80  }
0x6: {  	s20 =	simm.s32 $0x400;
	s21 =	simm.s32 $0x8F00;
	s22 =	simm.s32 $0x0  }
0x7: {  	s6 =	sand.u32 $0x1, s2;
	s4 =	sshll.u32 s0, $0x1;
	s2 =	rddreg [dreg:$0x3]  }
0x8: {  	s8 =	sshrl.u32 s0, $0x2;
	s7 =	sor.u32 s6, s4;
	s4 =	simm.s32 $0x0  }
0x9: {  	s8 =	smul.u32 $0x14000, s8;
	s6 =	ssub.s32 $0x2, s6;
	s9 =	sshll.u32 s7, $0x7  }
0xa: {  	[smem:$0x7FF] =	sst s4;
	s7 =	smul.u32 $0x29A, s7;
	s9 =	sand.u32 $0x380, s9  }
0xb: {  	s31 =	sshrl.u32 s6, $0x1;
	_ =	strace $0x80000047;
	s8 =	sor.u32 s8, s9  }
0xc: {  	s12 =	ssub.s32 s6, s31;
	s11 =	sadd.s32 s7, s5;
	s8 =	sshrl.u32 s8, $0x3  }
0xd: {  	s6 =	sadd.s32 $0x400, s11;
	s7 =	sadd.s32 $0xAC00, s11;
	s10 =	sadd.s32 s8, s5  }
0xe: {  	s5 =	sadd.s32 $0x5800, s11;
	s8 =	sadd.s32 $0x10000, s10;
	s9 =	sadd.s32 $0x1A000, s10  }
0xf: {  	v0 =	vimm.f32 $0.0e+00;
	v1 =	vimm.f32 $1.000000000e+00;
	s10 =	sadd.s32 $0x24000, s11;
	s11 =	smax.u32 s12, $0x1;
	s12 =	simm.s32 $0x1  }
.LBB2_1:
0x10: {  	[tilespmem:s4], [sflag:$0x1] =	stream.linear.gather [hbm4b:s1+s4], $0x2800, $0x38;
	[tilespmem:$0xF400] =	vst v63  }
0x11: {  	_ =	swait.ge [sflag:s12], $0x2800  }
0x12: {  	[sflag:s12] =	ssyncset.done $0x0  }
0x13: {  	[sflag:s12] =	ssyncadd.s32 $0xFFFFD800  }
0x14: {  	[tilespmem:s13], [sflag:$0x1] =	stream.linear.gather [hbm4b:s3+s4], $0x2800, $0x38;
	[tilespmem:$0xF400] =	vst v63  }
0x15: {  	_ =	swait.ge [sflag:s12], $0x2800  }
0x16: {  	[sflag:s12] =	ssyncset.done $0x0  }
0x17: {  	[sflag:s12] =	ssyncadd.s32 $0xFFFFD800  }
0x18: {  	[tilespmem:s14], [sflag:$0x1] =	stream.linear.gather [hbm4b:s5+s4], $0x14D0, $0x38;
	[tilespmem:$0xF400] =	vst v63  }
0x19: {  	_ =	swait.ge [sflag:s12], $0x14D0  }
0x1a: {  	[sflag:s12] =	ssyncset.done $0x0  }
0x1b: {  	[sflag:s12] =	ssyncadd.s32 $0xFFFFEB30  }
0x1c: {  	[tilespmem:s15], [sflag:$0x1] =	stream.linear.gather [hbm4b:s6+s4], $0x14D0, $0x38;
	[tilespmem:$0xF400] =	vst v63  }
0x1d: {  	_ =	swait.ge [sflag:s12], $0x14D0  }
0x1e: {  	[sflag:s12] =	ssyncset.done $0x0  }
0x1f: {  	[sflag:s12] =	ssyncadd.s32 $0xFFFFEB30  }
0x20: {  	[tilespmem:s16], [sflag:$0x1] =	stream.linear.gather [hbm4b:s7+s4], $0x14D0, $0x38;
	[tilespmem:$0xF400] =	vst v63  }
0x21: {  	_ =	swait.ge [sflag:s12], $0x14D0  }
0x22: {  	[sflag:s12] =	ssyncset.done $0x0  }
0x23: {  	s25 =	simm.s32 $0xA420;
	[sflag:s12] =	ssyncadd.s32 $0xFFFFEB30  }
0x24: {  	s29 =	simm.s32 $0xCC20;
	[tilespmem:s25+$0xFFFFFFE0] =	vst v0  }
0x25: {  	[tilespmem:s29+$0xFFFFFFE0] =	vst v0  }
0x26: {  	[tilespmem:s25+$0xFFFFFFF0] =	vst v0  }
0x27: {  	[tilespmem:s29+$0xFFFFFFF0] =	vst v0  }
0x28: {  	[tilespmem:s25+$0x0] =	vst v0  }
0x29: {  	s23 =	simm.s32 $0x6510;
	[tilespmem:s29+$0x0] =	vst v0  }
0x2a: {  	s24 =	simm.s32 $0x5010;
	s30 =	simm.s32 $0x0;
	s26 =	simm.s32 $0x7A10;
	[tilespmem:s25+$0x10] =	vst v0  }
0x2b: {  	s31 =	simm.s32 $0xA460;
	s28 =	simm.s32 $0xFFFFFFFE;
	s25 =	simm.s32 $0x8F10;
	[tilespmem:s29+$0x10] =	vst v0  }
.LBB2_2:
0x2c: {  	[tilespmem:s31+$0xFFFFFFE0] =	vst v0;
	s29 =	sadd.s32 $0x40, s29  }
0x2d: {  	s30 =	sadd.s32 $0x4, s30;
	[tilespmem:s29+$0xFFFFFFE0] =	vst v0  }
0x2e: {  	p0 =	slt.u32 s30, $0x27C;
	[tilespmem:s31+$0xFFFFFFF0] =	vst v0  }
.Ltmp0:
0x2f: {  	[tilespmem:s29+$0xFFFFFFF0] =	vst v0;
	(pc) =	sbr.rel @p0 .LBB2_2-.Ltmp0, $4  }
0x30: {  	[tilespmem:s31+$0x0] =	vst v0  }
0x31: {  	[tilespmem:s29+$0x0] =	vst v0  }
0x32: {  	[tilespmem:s31+$0x10] =	vst v0  }
0x33: {  	s31 =	sadd.s32 $0x40, s31;
	[tilespmem:s29+$0x10] =	vst v0  }
.LBB2_3:
0x34: {  	v2 =	vld [tilespmem:s23+$0xFFFFFFF0]  }
0x35: {  	v3 =	vld [tilespmem:s24+$0xFFFFFFF0];
	_ =	sdelay $0x6  }
0x36: {  	v2 =	vld.idx.msk [tilespmem:v2+s4+$0x0], $0xffff  }
0x37: {  	v4 =	vld.idx.msk [tilespmem:v3+s13+$0x0], $0xffff;
	_ =	sdelay $0x4  }
0x38: {  	v60 =	vld [tilespmem:s26+$0xFFFFFFF0];
	v2 =	vadd.f32 v4, v2;
	_ =	sdelay $0x1  }
0x39: {  	v5 =	vmul.f32 $9.999999770e-03, v2  }
0x3a: {  	vm0 =	vge.f32 v2, $0.0e+00  }
0x3b: {  	v2 =	vsel vm0, v2, v5  }
0x3c: {  	v2 =	vadd.f32 v2, v60;
	_ =	sdelay $0x1  }
0x3d: {  	v2 =	vmul.f32 $1.442695020e+00, v2;
	_ =	sdelay $0x1  }
0x3e: {  	(erf) = vpow2.f32 v2;
	_ =	sdelay $0x8  }
0x3f: {  	v2 =	vpop (erf)  }
0x40: {  	[tilespmem:s25+$0xFFFFFFF0] =	vst v2  }
0x41: {  	[tilespmem:v3+s17+$0x0] =	vst.idx.add.f32.msk $0xffff, v1  }
0x42: {  	[tilespmem:v3+s18+$0x0] =	vst.idx.add.f32.msk $0xffff, v2  }
0x43: {  	v2 =	vld [tilespmem:s23+$0x0]  }
0x44: {  	v3 =	vld [tilespmem:s24+$0x0];
	_ =	sdelay $0x6  }
0x45: {  	v2 =	vld.idx.msk [tilespmem:v2+s4+$0x0], $0xffff  }
0x46: {  	v61 =	vld.idx.msk [tilespmem:v3+s13+$0x0], $0xffff;
	_ =	sdelay $0x4  }
0x47: {  	v62 =	vld [tilespmem:s26+$0x0];
	v2 =	vadd.f32 v61, v2;
	_ =	sdelay $0x1  }
0x48: {  	v63 =	vmul.f32 $9.999999770e-03, v2  }
0x49: {  	vm15 =	vge.f32 v2, $0.0e+00  }
0x4a: {  	v2 =	vsel vm15, v2, v63  }
0x4b: {  	v2 =	vadd.f32 v2, v62;
	_ =	sdelay $0x1  }
0x4c: {  	v2 =	vmul.f32 $1.442695020e+00, v2;
	_ =	sdelay $0x1  }
0x4d: {  	(erf) = vpow2.f32 v2;
	_ =	sdelay $0x5  }
0x4e: {  	s28 =	sadd.s32 $0x2, s28  }
0x4f: {  	p0 =	slt.u32 s28, $0x14A  }
.Ltmp1:
0x50: {  	_ = 	snop;
	(pc) =	sbr.rel @p0 .LBB2_3-.Ltmp1, $4  }
0x51: {  	v2 =	vpop (erf)  }
0x52: {  	[tilespmem:s25+$0x0] =	vst v2  }
0x53: {  	s26 =	sadd.s32 $0x20, s26;
	[tilespmem:v3+s17+$0x0] =	vst.idx.add.f32.msk $0xffff, v1  }
0x54: {  	s23 =	sadd.s32 $0x20, s23;
	s24 =	sadd.s32 $0x20, s24;
	s25 =	sadd.s32 $0x20, s25;
	[tilespmem:v3+s18+$0x0] =	vst.idx.add.f32.msk $0xffff, v2  }
0x55: {  	v2 =	vld [tilespmem:$0x79C0]  }
0x56: {  	v3 =	vld [tilespmem:$0x64C0];
	_ =	sdelay $0x6  }
0x57: {  	v2 =	vld.idx.msk [tilespmem:v2+s4+$0x0], $0xffff  }
0x58: {  	v4 =	vld.idx.msk [tilespmem:v3+s13+$0x0], $0xffff;
	_ =	sdelay $0x4  }
0x59: {  	v63 =	vld [tilespmem:$0x8EC0];
	v2 =	vadd.f32 v4, v2;
	_ =	sdelay $0x1  }
0x5a: {  	v5 =	vmul.f32 $9.999999770e-03, v2  }
0x5b: {  	vm0 =	vge.f32 v2, $0.0e+00  }
0x5c: {  	v2 =	vsel vm0, v2, v5  }
0x5d: {  	v2 =	vadd.f32 v2, v63;
	_ =	sdelay $0x1  }
0x5e: {  	v2 =	vmul.f32 $1.442695020e+00, v2;
	_ =	sdelay $0x1  }
0x5f: {  	(erf) = vpow2.f32 v2;
	_ =	sdelay $0x8  }
0x60: {  	v2 =	vpop (erf)  }
0x61: {  	[tilespmem:$0xA3C0] =	vst v2  }
0x62: {  	[tilespmem:v3+s17+$0x0] =	vst.idx.add.f32.msk $0xffff, v1  }
0x63: {  	[tilespmem:v3+s18+$0x0] =	vst.idx.add.f32.msk $0xffff, v2  }
0x64: {  	[hbm4b:s8+s19] =	stream.strided.scatter [tilespmem:s17], [sflag:$0x1], $0x2800, s20, s19, $0x38;
	[tilespmem:$0xF400] =	vst v63  }
0x65: {  	_ =	swait.ge [sflag:s12], $0x2800  }
0x66: {  	[sflag:s12] =	ssyncset.done $0x0  }
0x67: {  	[sflag:s12] =	ssyncadd.s32 $0xFFFFD800  }
0x68: {  	[hbm4b:s9+s19] =	stream.strided.scatter [tilespmem:s18], [sflag:$0x1], $0x2800, s20, s19, $0x38;
	[tilespmem:$0xF400] =	vst v63  }
0x69: {  	s22 =	sadd.s32 $0x1, s22;
	_ =	swait.ge [sflag:s12], $0x2800  }
0x6a: {  	p0 =	sne.s32 s22, s11;
	[sflag:s12] =	ssyncset.done $0x0  }
.Ltmp2:
0x6b: {  	[sflag:s12] =	ssyncadd.s32 $0xFFFFD800;
	(pc) =	sbr.rel @p0 .LBB2_1-.Ltmp2, $4  }
0x6c: {  	[hbm4b:s10+s4] =	stream.linear.scatter [tilespmem:s21], [sflag:$0x1], $0x14D0, $0x38;
	[tilespmem:$0xF400] =	vst v63  }
0x6d: {  	_ =	swait.ge [sflag:s12], $0x14D0  }
0x6e: {  	[sflag:s12] =	ssyncset.done $0x0  }
0x6f: {  	[sflag:s12] =	ssyncadd.s32 $0xFFFFEB30  }
0x70: {  	_ =	sfence.sel $0x180000  }
0x71: {  	[bflag:$0x0] =	sbarrier.arrive $0xFFFF  }
0x72: {  	p0 =	sne.s32 s0, $0x0;
	_ =	strace $0x90000047  }
0x73: {  	s0 =	sadd.s32 @!p0 $0x100000, s2;
	[bflag:$0x2] =	sbarrier.arrive $0xFFFF  }
0x74: {  	[sflag:s0] =	ssyncadd.tile.s32 @!p0 $0x1;
	_ =	shalt  }
.Lfunc_end2:
_tile_overlayer_lowered:
.L_overlay_start_2:
0x75: {  	(tag) =	ssettag $0x2  }
0x76: {  	s0 =	rddreg [dreg:$0x0];
	s2 =	stileid.u32  }
0x77: {  	s1 =	rddreg [dreg:$0x1];
	p0 =	sne.s32 s2, $0x0  }
0x78: {  	s3 =	rddreg [dreg:$0x2];
	[bflag:$0x3] =	sbarrier.arrive $0xFFFF;
	s2 =	simm.s32 @!p0 $0x1C01  }
0x79: {  	[timem:s3], [sflag:s2] =	dma.local @!p0 [hbm:s0], s1  }
0x7a: {  	s0 =	simm.s32 @!p0 $0x1  }
0x7b: {  	_ =	swait.ge @!p0 [sflag:s0], s1  }
0x7c: {  	s1 =	ssub.s32 @!p0 $0x0, s1;
	[sflag:s0] =	ssyncset.done @!p0 $0x0  }
0x7d: {  	[sflag:s0] =	ssyncadd.s32 @!p0 s1  }
0x7e: {  	[bflag:$0x3] =	sbarrier.arrive $0xFFFF  }
0x7f: {  	_ =	shalt  }

// kernel: kernel.9.cloned.1.call-start
scs
__scs_entry_jumppad:
0x0: {  	(pc) =	sbr.rel $0x88, $3  }
0x1: {  	(tag) =	ssettag $0x0;
	lr =	simm.s32 $0x1  }
0x2: {  	[smem:$0x3F9B] =	sst lr;
	_ =	strace $0xD0000000  }
0x3: {  	_ = 	snop  }
0x4: {  	_ = 	snop  }
0x5: {  	_ = 	snop  }
0x6: {  	_ = 	snop  }
0x7: {  	_ = 	snop  }
__scs_overlays_trampoline_lowered:
0x8: {  	[smem:$0x3FAA] =	sst s0  }
0x9: {  	[smem:$0x3FAB] =	sst s1  }
0xa: {  	[smem:$0x3FAC] =	sst s2  }
0xb: {  	[smem:$0x3FAD] =	sst s3  }
0xc: {  	[smem:$0x3FAE] =	sst s4  }
0xd: {  	[smem:$0x3FAF] =	sst s5  }
0xe: {  	[smem:$0x3FB0] =	sst s6  }
0xf: {  	[smem:$0x3FB1] =	sst s7  }
0x10: {  	[smem:$0x3FB2] =	sst s8  }
0x11: {  	[smem:$0x3FB3] =	sst s9;
	s0 =	simm.s32 @!p0 $0x0  }
0x12: {  	s1 =	sld [smem:$0x3F99];
	s0 =	simm.s32 @p0 $0x1  }
0x13: {  	[smem:$0x3FB4] =	sst s0;
	s0 =	simm.s32 @!p1 $0x0  }
0x14: {  	s2 =	sld [smem:$0x3F98];
	s0 =	simm.s32 @p1 $0x1  }
0x15: {  	[smem:$0x3FB5] =	sst s0;
	s0 =	simm.s32 @!p2 $0x0  }
0x16: {  	s3 =	sld [smem:$0x3FDB];
	s0 =	simm.s32 @p2 $0x1  }
0x17: {  	s4 =	simm.s32 $0x1BF5;
	[smem:$0x3FB7] =	sst s0  }
0x18: {  	s0 =	sld [smem:$0x3F9A];
	_ =	swait.ge [sflag:s4], $0x0  }
0x19: {  	s7 =	sld [smem:$0x3F9B]  }
0x1a: {  	s8 =	sadd.s32 $0xFFFFE003, lr  }
0x1b: {  	s9 =	sadd.s32 $0xFFFFFEF7, lr;
	s5 =	simm.s32 $0xFFFFFFFF;
	p2 =	slt.u32 s8, $0xFFFFF086  }
0x1c: {  	p1 =	slt.u32 s9, $0xF7A;
	s5 =	simm.s32 @!p2 $0x0  }
0x1d: {  	s5 =	simm.s32 @p1 $0x1;
	p0 =	seq.s32 s7, s2  }
0x1e: {  	s7 =	smul.u32 @!p0 $0xF7A, s2;
	p2 =	seq.s32 @!p0 s5, $0x0  }
0x1f: {  	s9 =	smul.u32 $0xF7A, s1;
	s8 =	simm.s32 @!p0 $0x1BF5;
	p2 =	por !p2, p0  }
0x20: {  	[sflag:s8] =	ssyncset.s32 @!p0 $0xFFFFF086;
	s6 =	sadd.s32 @!p0 s3, s7;
	s7 =	simm.s32 @!p0 $0x108  }
0x21: {  	s3 =	sadd.s32 s3, s9;
	s6 =	sadd.s32 @!p0 $0x88, s6;
	s7 =	simm.s32 @p2 $0x1082  }
0x22: {  	[simem:s7], [sflag:s8] =	dma.local @!p0 [hbm:s6], $0xF7A  }
0x23: {  	s9 =	sor.u32 $0xD0000000, s2;
	s6 =	simm.s32 $0x108;
	_ =	swait.ge @!p0 [sflag:s8], $0x0  }
0x24: {  	s3 =	sadd.s32 $0x88, s3;
	s6 =	simm.s32 @!p1 $0x1082;
	[sflag:s4] =	ssyncset.s32 $0xFFFFF086  }
0x25: {  	[simem:s6], [sflag:s4] =	dma.local [hbm:s3], $0xF7A  }
0x26: {  	[smem:$0x3F9B] =	sst s1;
	(tag) =	ssettag s2;
	_ =	strace s9  }
0x27: {  	s1 =	sld [smem:$0x3FAB]  }
0x28: {  	s2 =	sld [smem:$0x3FAC]  }
0x29: {  	s4 =	sld [smem:$0x3FAE]  }
0x2a: {  	p0 =	seq.s32 s5, $0x0;
	s5 =	sld [smem:$0x3FAF]  }
0x2b: {  	s6 =	sld [smem:$0x3FB0]  }
0x2c: {  	s7 =	sld [smem:$0x3FB1]  }
0x2d: {  	s3 =	simm.s32 $0x108;
	s8 =	sld [smem:$0x3FB2]  }
0x2e: {  	s3 =	simm.s32 @!p0 $0x1082;
	s9 =	sld [smem:$0x3FB3]  }
0x2f: {  	lr =	sadd.s32 s0, s3;
	s0 =	sld [smem:$0x3FAA]  }
0x30: {  	s3 =	sld [smem:$0x3FAD]  }
0x31: {  	[smem:$0x3FB6] =	sst s10  }
0x32: {  	s10 =	sld [smem:$0x3FB4];
	_ =	sdelay $0x3  }
0x33: {  	p0 =	seq.s32 s10, $0x1;
	s10 =	sld [smem:$0x3FB6];
	_ =	sdelay $0x3  }
0x34: {  	[smem:$0x3FB6] =	sst s10  }
0x35: {  	s10 =	sld [smem:$0x3FB5];
	_ =	sdelay $0x3  }
0x36: {  	p1 =	seq.s32 s10, $0x1;
	s10 =	sld [smem:$0x3FB6];
	_ =	sdelay $0x3  }
0x37: {  	[smem:$0x3FB6] =	sst s10  }
0x38: {  	s10 =	sld [smem:$0x3FB7]  }
0x39: {  	_ = 	snop;
	(pc) =	sbr.ind lr, $3  }
0x3a: {  	_ = 	snop  }
0x3b: {  	_ = 	snop  }
0x3c: {  	p2 =	seq.s32 s10, $0x1;
	s10 =	sld [smem:$0x3FB6]  }
0x3d: {  	_ =	shalt  }
0x3e: {  	_ =	shalt  }
0x3f: {  	_ =	shalt  }
0x40: {  	_ =	shalt  }
0x41: {  	_ =	shalt  }
0x42: {  	_ =	shalt  }
0x43: {  	_ =	shalt  }
0x44: {  	_ =	shalt  }
0x45: {  	_ =	shalt  }
0x46: {  	_ =	shalt  }
0x47: {  	_ =	shalt  }
0x48: {  	_ =	shalt  }
0x49: {  	_ =	shalt  }
0x4a: {  	_ =	shalt  }
0x4b: {  	_ =	shalt  }
0x4c: {  	_ =	shalt  }
0x4d: {  	_ =	shalt  }
0x4e: {  	_ =	shalt  }
0x4f: {  	_ =	shalt  }
0x50: {  	_ =	shalt  }
0x51: {  	_ =	shalt  }
0x52: {  	_ =	shalt  }
0x53: {  	_ =	shalt  }
0x54: {  	_ =	shalt  }
0x55: {  	_ =	shalt  }
0x56: {  	_ =	shalt  }
0x57: {  	_ =	shalt  }
0x58: {  	_ =	shalt  }
0x59: {  	_ =	shalt  }
0x5a: {  	_ =	shalt  }
0x5b: {  	_ =	shalt  }
0x5c: {  	_ =	shalt  }
0x5d: {  	_ =	shalt  }
0x5e: {  	_ =	shalt  }
0x5f: {  	_ =	shalt  }
0x60: {  	_ =	shalt  }
0x61: {  	_ =	shalt  }
0x62: {  	_ =	shalt  }
0x63: {  	_ =	shalt  }
0x64: {  	_ =	shalt  }
0x65: {  	_ =	shalt  }
0x66: {  	_ =	shalt  }
0x67: {  	_ =	shalt  }
0x68: {  	_ =	shalt  }
0x69: {  	_ =	shalt  }
0x6a: {  	_ =	shalt  }
0x6b: {  	_ =	shalt  }
0x6c: {  	_ =	shalt  }
0x6d: {  	_ =	shalt  }
0x6e: {  	_ =	shalt  }
0x6f: {  	_ =	shalt  }
0x70: {  	_ =	shalt  }
0x71: {  	_ =	shalt  }
0x72: {  	_ =	shalt  }
0x73: {  	_ =	shalt  }
0x74: {  	_ =	shalt  }
0x75: {  	_ =	shalt  }
0x76: {  	_ =	shalt  }
0x77: {  	_ =	shalt  }
0x78: {  	_ =	shalt  }
0x79: {  	_ =	shalt  }
0x7a: {  	_ =	shalt  }
0x7b: {  	_ =	shalt  }
0x7c: {  	_ =	shalt  }
0x7d: {  	_ =	shalt  }
0x7e: {  	_ =	shalt  }
0x7f: {  	_ =	shalt  }
0x80: {  	_ =	shalt  }
0x81: {  	_ =	shalt  }
0x82: {  	_ =	shalt  }
0x83: {  	_ =	shalt  }
0x84: {  	_ =	shalt  }
0x85: {  	_ =	shalt  }
0x86: {  	_ =	shalt  }
0x87: {  	_ =	shalt  }
.Lfunc_end0:
.L_simem_size_0:
called_computation.1_lowered:
.L_overlay_start_0:
0x88: {  	s2 =	sld [smem:$0x3FD9]  }
0x89: {  	s3 =	sld [smem:$0x3FFE];
	_ =	sdelay $0x1  }
0x8a: {  	s1 =	srdreg.scid  }
0x8b: {  	s0 =	sand.u32 $0x1, s1  }
0x8c: {  	s14 =	sshll.u32 s0, $0xA;
	s2 =	sadd.s32 s3, s2  }
0x8d: {  	s2 =	sadd.s32 s2, s14  }
0x8e: {  	[smem:$0x3FC2] =	sst s2  }
0x8f: {  	_ = 	snop  }
0x90: {  	s2 =	sld [smem:$0x3FD0];
	_ =	sdelay $0x2  }
0x91: {  	s15 =	simm.s32 $0xA;
	s4 =	simm.s32 $0x10  }
0x92: {  	[smem:s4], [sflag:s15] =	dma.local [hbm:s2], $0x1  }
0x93: {  	_ =	swait.eq [sflag:s15], $0x1  }
0x94: {  	[sflag:s15] =	ssyncset.done $0x0  }
0x95: {  	s16 =	sld [smem:$0x10];
	[sflag:s15] =	ssyncadd.s32 $0xFFFFFFFF  }
0x96: {  	s17 =	sld [smem:$0x14];
	(tm) =	ssettm $0x1  }
0x97: {  	s18 =	sld [smem:$0x3FFB];
	_ =	sdelay $0x3  }
0x98: {  	_ =	strace s18  }
0x99: {  	s4 =	sld [smem:$0x3FFC];
	_ =	sdelay $0x3  }
0x9a: {  	_ =	strace s4  }
0x9b: {  	s4 =	sld [smem:$0x3FFD];
	_ =	sdelay $0x3  }
0x9c: {  	_ =	strace s4  }
0x9d: {  	_ =	strace $0x8FFFFFFF  }
0x9e: {  	s19 =	sld [smem:$0x3FDB];
	_ =	sdelay $0x1  }
0x9f: {  	s5 =	simm.s32 $_scs_section_size  }
0xa0: {  	s6 =	simm.s32 $_size__tile_overlayer_lowered;
	s7 =	simm.s32 $_tile_overlayer_lowered  }
0xa1: {  	s22 =	simm.s32 $0x1BFF;
	s21 =	sshll.u32 s7, $0x1;
	s4 =	sadd.s32 s5, s19  }
0xa2: {  	s8 =	simm.s32 $0x0;
	s20 =	sshll.u32 s6, $0x1;
	s6 =	sadd.s32 s21, s4  }
0xa3: {  	[timem:s8], [sflag:s22] =	dma.local [hbm:s6], s20  }
0xa4: {  	_ =	swait.ge [sflag:s22], s20  }
0xa5: {  	s5 =	ssub.s32 $0x0, s20;
	[sflag:s22] =	ssyncset.done $0x0  }
0xa6: {  	[sflag:s22] =	ssyncadd.s32 s5;
	_ =	sdelay $0x1  }
0xa7: {  	s23 =	simm.s32 $0x1B8B  }
0xa8: {  	_ =	swait.ge [sflag:s23], $0x1  }
0xa9: {  	[sflag:s23] =	ssyncset.done $0x0  }
0xaa: {  	s25 =	simm.s32 $0x1B8E;
	s24 =	sld [smem:$0x3FFE];
	[sflag:s23] =	ssyncadd.s32 $0xFFFFFFFF  }
0xab: {  	s26 =	simm.s32 $execute0_lowered;
	[smem:$0x3FD2] =	sst s25  }
0xac: {  	s6 =	sshll.u32 s26, $0x1;
	_ =	strace $0x80000049;
	[dreg:$0x1] =	wrdreg $0xFFFFFFFF  }
0xad: {  	s28 =	simm.s32 $_size_execute0_lowered;
	s4 =	sadd.s32 s4, s6;
	[dreg:$0x0] =	wrdreg $0x0  }
0xae: {  	s6 =	sshll.u32 s28, $0x1;
	[dreg:$0x2] =	wrdreg s4  }
0xaf: {  	[dreg:$0x3] =	wrdreg s6  }
0xb0: {  	[dreg:$0x4] =	wrdreg $0xC0  }
0xb1: {  	_ =	task [dreg:s8], $0x5FFFF  }
0xb2: {  	[dreg:$0x1] =	wrdreg $0xFFFFFFFF  }
0xb3: {  	[dreg:$0x0] =	wrdreg $0x60  }
0xb4: {  	[dreg:$0x2] =	wrdreg s24  }
0xb5: {  	[dreg:$0x3] =	wrdreg s16  }
0xb6: {  	[dreg:$0x4] =	wrdreg s17  }
0xb7: {  	[dreg:$0x5] =	wrdreg $0x9  }
0xb8: {  	_ =	task.clear_ibuf [dreg:s8], $0x6FFFF;
	_ =	strace $0x90000049  }
0xb9: {  	s29 =	simm.s32 $0x9;
	_ =	strace $0x8000004B  }
0xba: {  	_ =	swait.ge [sflag:s29], $0x1  }
0xbb: {  	[sflag:s29] =	ssyncadd.s32 $0xFFFFFFFF  }
0xbc: {  	_ =	strace $0x9000004B  }
0xbd: {  	_ =	sfence  }
0xbe: {  	s30 =	sld [smem:$0x0];
	_ =	sdelay $0x2  }
0xbf: {  	s31 =	sshll.u32 s1, $0xD;
	s1 =	sshrl.u32 s1, $0x2  }
0xc0: {  	s3 =	sand.u32 $0x4000, s31;
	s1 =	sadd.s32 s1, s30  }
0xc1: {  	s0 =	sor.u32 s3, s0;
	s1 =	sshll.u32 s1, $0x11  }
0xc2: {  	s0 =	sor.u32 s1, s0  }
0xc3: {  	s0 =	sadd.s32 $0x8F2B, s0  }
0xc4: {  	[sflag:s0] =	ssyncadd.remote.s32 $0x1  }
0xc5: {  	_ =	sfence.sel $0xFFFF  }
0xc6: {  	[dreg:$0x0] =	wrdreg $0xFFFFFFFF;
	(pc) =	sbr.abs _section_cstart, $3  }
0xc7: {  	[dreg:$0x1] =	wrdreg $0xFFFFFFFF  }
0xc8: {  	_ =	task.clear_ibuf [dreg:s8], $0x2FFFF;
	_ =	strace $0x9FFFFFFF  }
0xc9: {  	(tm) =	ssettm $0x7FFFFFFF  }
tec
execute0_lowered:
.L_overlay_start_1:
0x0: {  	(tag) =	ssettag $0x1  }
0x1: {  	s1 =	srdreg.scid  }
0x2: {  	s1 =	sand.u32 $0x1, s1  }
0x3: {  	p0 =	seq.s32 s1, $0x1  }
.Ltmp0:
0x4: {  	s4 =	rddreg [dreg:$0x0];
	(pc) =	sbr.rel @p0 .LBB2_14-.Ltmp0, $4  }
0x5: {  	s2 =	rddreg [dreg:$0x1]  }
0x6: {  	s5 =	rddreg [dreg:$0x2];
	s7 =	simm.s32 $0x0  }
0x7: {  	[smem:$0x7FF] =	sst s7  }
0x8: {  	s0 =	rddreg [dreg:$0x3];
	_ =	strace $0x8000004A;
	s1 =	stileid.u32  }
0x9: {  	s3 =	smul.u32 $0x1400, s1;
	s6 =	simm.s32 $0x0  }
0xa: {  	s8 =	smul.u32 $0x14000, s6;
	_ =	sdelay $0x1  }
0xb: {  	s9 =	sand.u32 $0x380, s7;
	s8 =	sadd.s32 s3, s8  }
0xc: {  	s6 =	smul.u32 $0x1400, s6;
	s8 =	sor.u32 s9, s8  }
0xd: {  	s10 =	sadd.s32 $0x10000, s4;
	s11 =	sshrl.u32 s8, $0x3  }
0xe: {  	s12 =	sor.u32 s9, s6;
	s15 =	sadd.s32 s10, s11  }
0xf: {  	[tilespmem:s12], [sflag:$0x1] =	stream.linear.gather [hbm4b:s15+s7], $0x80, $0x38;
	[tilespmem:$0x10280] =	vst v63  }
0x10: {  	s18 =	smul.u32 $0x50, s1;
	s9 =	sadd.s32 $0x400, s12;
	s16 =	sadd.s32 $0x80, s15  }
0x11: {  	[tilespmem:s9], [sflag:$0x1] =	stream.linear.gather [hbm4b:s16+s7], $0x80, $0x38;
	[tilespmem:$0x10280] =	vst v63  }
0x12: {  	s26 =	simm.s32 $0x0;
	s13 =	sadd.s32 $0x800, s12;
	s17 =	sadd.s32 $0x100, s15  }
0x13: {  	[tilespmem:s13], [sflag:$0x1] =	stream.linear.gather [hbm4b:s17+s7], $0x80, $0x38;
	[tilespmem:$0x10280] =	vst v63  }
0x14: {  	s29 =	smul.u32 $0x14000, s26;
	s14 =	sadd.s32 $0xC00, s12;
	s19 =	sadd.s32 $0x180, s15  }
0x15: {  	[tilespmem:s14], [sflag:$0x1] =	stream.linear.gather [hbm4b:s19+s7], $0x80, $0x38;
	[tilespmem:$0x10280] =	vst v63  }
0x16: {  	s20 =	sadd.s32 $0x1000, s12;
	s8 =	simm.s32 $0x1;
	s6 =	sadd.s32 $0x200, s15  }
0x17: {  	[tilespmem:s20], [sflag:$0x1] =	stream.linear.gather [hbm4b:s6+s7], $0x80, $0x38;
	[tilespmem:$0x10280] =	vst v63  }
0x18: {  	s22 =	sshll.u32 s1, $0x4;
	s21 =	sadd.s32 s18, s4;
	_ =	swait.ge [sflag:s8], $0x280  }
0x19: {  	s31 =	sadd.s32 s3, s29;
	s9 =	sadd.s32 $0x1A000, s4;
	[sflag:s8] =	ssyncset.done $0x0  }
0x1a: {  	s23 =	sadd.s32 $0x5000, s12;
	s15 =	sadd.s32 s9, s11;
	[sflag:s8] =	ssyncadd.s32 $0xFFFFFD80  }
0x1b: {  	[tilespmem:s23], [sflag:$0x1] =	stream.linear.gather [hbm4b:s15+s7], $0x80, $0x38;
	[tilespmem:$0x10280] =	vst v63  }
0x1c: {  	s24 =	sadd.s32 $0x5400, s12;
	s4 =	sadd.s32 $0x29400, s21;
	s11 =	sadd.s32 $0x80, s15  }
0x1d: {  	[tilespmem:s24], [sflag:$0x1] =	stream.linear.gather [hbm4b:s11+s7], $0x80, $0x38;
	[tilespmem:$0x10280] =	vst v63  }
0x1e: {  	s16 =	sadd.s32 $0x5800, s12;
	s25 =	sadd.s32 $0x100, s15;
	s28 =	sadd.s32 $0x180, s15  }
0x1f: {  	[tilespmem:s16], [sflag:$0x1] =	stream.linear.gather [hbm4b:s25+s7], $0x80, $0x38;
	[tilespmem:$0x10280] =	vst v63  }
0x20: {  	s17 =	sadd.s32 $0x5C00, s12;
	s30 =	sadd.s32 $0x200, s15;
	s12 =	sadd.s32 $0x6000, s12  }
0x21: {  	[tilespmem:s17], [sflag:$0x1] =	stream.linear.gather [hbm4b:s28+s7], $0x80, $0x38;
	[tilespmem:$0x10280] =	vst v63  }
0x22: {  	s14 =	simm.s32 $0x2;
	s6 =	sadd.s32 s5, s22;
	s11 =	simm.s32 $0x80  }
0x23: {  	[tilespmem:s12], [sflag:$0x1] =	stream.linear.gather [hbm4b:s30+s7], $0x80, $0x38;
	[tilespmem:$0x10280] =	vst v63  }
0x24: {  	s15 =	smul.u32 $0x1400, s26;
	s13 =	sand.u32 $0x380, s11;
	_ =	swait.ge [sflag:s8], $0x280  }
0x25: {  	v0 =	vmov s1;
	s16 =	sor.u32 s13, s31;
	s7 =	simm.s32 $0x0;
	[sflag:s8] =	ssyncset.done $0x0  }
.LBB2_2:
0x26: {  	s16 =	sshrl.u32 s16, $0x3  }
0x27: {  	[sflag:s8] =	ssyncadd.s32 $0xFFFFFD80;
	s17 =	smov.u32 s14;
	s12 =	sadd.s32 $0x1, s14  }
0x28: {  	s15 =	sor.u32 s13, s15;
	s13 =	sadd.s32 s10, s16  }
0x29: {  	[tilespmem:s15], [sflag:$0x1] =	stream.linear.gather [hbm4b:s13+s7], $0x80, $0x38;
	[tilespmem:$0x10280] =	vst v63  }
0x2a: {  	p0 =	sne.s32 s14, $0x1F;
	s18 =	sadd.s32 $0x400, s15;
	s14 =	sadd.s32 $0x80, s13  }
0x2b: {  	[tilespmem:s18], [sflag:$0x1] =	stream.linear.gather [hbm4b:s14+s7], $0x80, $0x38;
	[tilespmem:$0x10280] =	vst v63  }
0x2c: {  	s14 =	sadd.s32 $0x100, s13;
	s18 =	sadd.s32 $0x800, s15  }
0x2d: {  	[tilespmem:s18], [sflag:$0x1] =	stream.linear.gather [hbm4b:s14+s7], $0x80, $0x38;
	[tilespmem:$0x10280] =	vst v63  }
0x2e: {  	s14 =	sadd.s32 $0x180, s13;
	s18 =	sadd.s32 $0xC00, s15  }
0x2f: {  	[tilespmem:s18], [sflag:$0x1] =	stream.linear.gather [hbm4b:s14+s7], $0x80, $0x38;
	[tilespmem:$0x10280] =	vst v63  }
0x30: {  	s13 =	sadd.s32 $0x200, s13;
	s14 =	sadd.s32 $0x1000, s15  }
0x31: {  	[tilespmem:s14], [sflag:$0x1] =	stream.linear.gather [hbm4b:s13+s7], $0x80, $0x38;
	[tilespmem:$0x10280] =	vst v63  }
0x32: {  	_ =	swait.ge [sflag:s8], $0x280  }
0x33: {  	[sflag:s8] =	ssyncset.done $0x0  }
0x34: {  	s13 =	sadd.s32 $0x5000, s15;
	s14 =	sadd.s32 s9, s16;
	[sflag:s8] =	ssyncadd.s32 $0xFFFFFD80  }
0x35: {  	[tilespmem:s13], [sflag:$0x1] =	stream.linear.gather [hbm4b:s14+s7], $0x80, $0x38;
	[tilespmem:$0x10280] =	vst v63  }
0x36: {  	s11 =	sadd.s32 $0x80, s11;
	s16 =	sadd.s32 $0x5400, s15;
	s13 =	sadd.s32 $0x80, s14  }
0x37: {  	[tilespmem:s16], [sflag:$0x1] =	stream.linear.gather [hbm4b:s13+s7], $0x80, $0x38;
	[tilespmem:$0x10280] =	vst v63  }
0x38: {  	s18 =	sadd.s32 $0x5800, s15;
	s13 =	sand.u32 $0x380, s11;
	s16 =	sadd.s32 $0x100, s14  }
0x39: {  	[tilespmem:s18], [sflag:$0x1] =	stream.linear.gather [hbm4b:s16+s7], $0x80, $0x38;
	[tilespmem:$0x10280] =	vst v63  }
0x3a: {  	s16 =	sshrl.u32 s17, $0x3;
	s17 =	sadd.s32 $0x180, s14;
	s18 =	sadd.s32 $0x5C00, s15  }
0x3b: {  	[tilespmem:s18], [sflag:$0x1] =	stream.linear.gather [hbm4b:s17+s7], $0x80, $0x38;
	[tilespmem:$0x10280] =	vst v63  }
.Ltmp1:
0x3c: {  	_ = 	snop;
	(pc) =	sbr.rel @p0 .LBB2_2-.Ltmp1, $4  }
0x3d: {  	s14 =	sadd.s32 $0x200, s14;
	s15 =	sadd.s32 $0x6000, s15;
	s17 =	smul.u32 $0x14000, s16  }
0x3e: {  	[tilespmem:s15], [sflag:$0x1] =	stream.linear.gather [hbm4b:s14+s7], $0x80, $0x38;
	[tilespmem:$0x10280] =	vst v63  }
0x3f: {  	s15 =	smul.u32 $0x1400, s16;
	s14 =	sadd.s32 s3, s17;
	_ =	swait.ge [sflag:s8], $0x280  }
0x40: {  	s16 =	sor.u32 s13, s14;
	s14 =	smov.u32 s12;
	[sflag:s8] =	ssyncset.done $0x0  }
0x41: {  	s11 =	sshrl.u32 s16, $0x3  }
0x42: {  	[sflag:s8] =	ssyncadd.s32 $0xFFFFFD80;
	s12 =	sor.u32 s13, s15;
	s10 =	sadd.s32 s10, s11  }
0x43: {  	[tilespmem:s12], [sflag:$0x1] =	stream.linear.gather [hbm4b:s10+s7], $0x80, $0x38;
	[tilespmem:$0x10280] =	vst v63  }
0x44: {  	s14 =	sadd.s32 $0x400, s12;
	s17 =	sadd.s32 $0x80, s10  }
0x45: {  	[tilespmem:s14], [sflag:$0x1] =	stream.linear.gather [hbm4b:s17+s7], $0x80, $0x38;
	[tilespmem:$0x10280] =	vst v63  }
0x46: {  	s19 =	sadd.s32 $0x800, s12;
	s18 =	sadd.s32 $0x100, s10  }
0x47: {  	[tilespmem:s19], [sflag:$0x1] =	stream.linear.gather [hbm4b:s18+s7], $0x80, $0x38;
	[tilespmem:$0x10280] =	vst v63  }
0x48: {  	s21 =	sadd.s32 $0xC00, s12;
	s20 =	sadd.s32 $0x180, s10  }
0x49: {  	[tilespmem:s21], [sflag:$0x1] =	stream.linear.gather [hbm4b:s20+s7], $0x80, $0x38;
	[tilespmem:$0x10280] =	vst v63  }
0x4a: {  	s22 =	sadd.s32 $0x1000, s12;
	s10 =	sadd.s32 $0x200, s10  }
0x4b: {  	[tilespmem:s22], [sflag:$0x1] =	stream.linear.gather [hbm4b:s10+s7], $0x80, $0x38;
	[tilespmem:$0x10280] =	vst v63  }
0x4c: {  	_ =	swait.ge [sflag:s8], $0x280  }
0x4d: {  	[sflag:s8] =	ssyncset.done $0x0  }
0x4e: {  	s23 =	sadd.s32 $0x5000, s12;
	s9 =	sadd.s32 s9, s11;
	[sflag:s8] =	ssyncadd.s32 $0xFFFFFD80  }
0x4f: {  	[tilespmem:s23], [sflag:$0x1] =	stream.linear.gather [hbm4b:s9+s7], $0x80, $0x38;
	[tilespmem:$0x10280] =	vst v63  }
0x50: {  	s25 =	sadd.s32 $0x5400, s12;
	s24 =	sadd.s32 $0x80, s9  }
0x51: {  	[tilespmem:s25], [sflag:$0x1] =	stream.linear.gather [hbm4b:s24+s7], $0x80, $0x38;
	[tilespmem:$0x10280] =	vst v63  }
0x52: {  	s28 =	sadd.s32 $0x5800, s12;
	s26 =	sadd.s32 $0x100, s9  }
0x53: {  	[tilespmem:s28], [sflag:$0x1] =	stream.linear.gather [hbm4b:s26+s7], $0x80, $0x38;
	[tilespmem:$0x10280] =	vst v63  }
0x54: {  	s30 =	sadd.s32 $0x5C00, s12;
	s29 =	sadd.s32 $0x180, s9  }
0x55: {  	[tilespmem:s30], [sflag:$0x1] =	stream.linear.gather [hbm4b:s29+s7], $0x80, $0x38;
	[tilespmem:$0x10280] =	vst v63  }
0x56: {  	s31 =	sadd.s32 $0x6000, s12;
	s9 =	sadd.s32 $0x200, s9  }
0x57: {  	[tilespmem:s31], [sflag:$0x1] =	stream.linear.gather [hbm4b:s9+s7], $0x80, $0x38;
	[tilespmem:$0x10280] =	vst v63  }
0x58: {  	_ =	swait.ge [sflag:s8], $0x280  }
0x59: {  	[sflag:s8] =	ssyncset.done $0x0  }
0x5a: {  	[sflag:s8] =	ssyncadd.s32 $0xFFFFFD80  }
.LBB2_4:
0x5b: {  	s8 =	simm.s32 $0x0  }
0x5c: {  	s9 =	sshll.u32 s7, $0x7;
	s10 =	smul.u32 $0x1400, s8  }
0x5d: {  	s11 =	simm.s32 $0x0;
	s9 =	sand.u32 $0x1C00, s9  }
0x5e: {  	s8 =	sshll.u32 s7, $0x4;
	s11 =	sand.u32 $0x380, s11;
	s12 =	sadd.s32 s9, s10  }
0x5f: {  	s10 =	sand.u32 $0x70, s8;
	s11 =	sor.u32 s11, s12  }
0x60: {  	s13 =	sor.u32 s10, s11  }
0x61: {  	s30 =	simm.s32 $0x0;
	v2 =	vld [tilespmem:s13+$0x5000]  }
0x62: {  	s31 =	smul.u32 $0x1400, s30  }
0x63: {  	s11 =	simm.s32 $0x80;
	v3 =	vld [tilespmem:s13+$0x0]  }
0x64: {  	s12 =	sadd.s32 s9, s31;
	s14 =	sand.u32 $0x380, s11  }
0x65: {  	v1 =	vimm.f32 $0.0e+00;
	s14 =	sor.u32 s14, s12  }
0x66: {  	[tilespmem:s13+$0xA000] =	vst v1;
	s12 =	simm.s32 $0x2;
	s13 =	sor.u32 s10, s14;
	v2 =	vadd.f32 v2, v1  }
.LBB2_5:
0x67: {  	s14 =	sshrl.u32 s12, $0x3  }
0x68: {  	p0 =	sne.s32 s12, $0x1F;
	s12 =	sadd.s32 $0x1, s12;
	v4 =	vld [tilespmem:s13+$0x5000];
	v1 =	vadd.f32 v3, v1;
	s14 =	smul.u32 $0x1400, s14  }
.Ltmp2:
0x69: {  	v3 =	vld [tilespmem:s13+$0x0];
	(pc) =	sbr.rel @p0 .LBB2_5-.Ltmp2, $4  }
0x6a: {  	s11 =	sadd.s32 $0x80, s11;
	[tilespmem:s13+$0xA000] =	vst v1  }
0x6b: {  	s13 =	sadd.s32 s9, s14;
	s14 =	sand.u32 $0x380, s11  }
0x6c: {  	s13 =	sor.u32 s14, s13  }
0x6d: {  	s13 =	sor.u32 s10, s13;
	v2 =	vadd.f32 v4, v2  }
0x6e: {  	v4 =	vld [tilespmem:s13+$0x0]  }
0x6f: {  	v5 =	vld [tilespmem:s13+$0x5000]  }
0x70: {  	s7 =	sadd.s32 $0x1, s7  }
0x71: {  	v1 =	vadd.f32 v3, v1;
	p0 =	sne.s32 s7, $0x28  }
.Ltmp3:
0x72: {  	_ = 	snop;
	(pc) =	sbr.rel @p0 .LBB2_4-.Ltmp3, $4  }
0x73: {  	v3 =	vadd.f32 v4, v1  }
0x74: {  	[tilespmem:s13+$0xA000] =	vst v1;
	v1 =	vadd.f32 v5, v2  }
0x75: {  	[tilespmem:s8+$0xF000] =	vst v3  }
0x76: {  	[tilespmem:s8+$0xF500] =	vst v1  }
0x77: {  	s7 =	simm.s32 $0x0  }
0x78: {  	v1 =	vld [tilespmem:s7+$0xF000];
	_ =	sdelay $0x4  }
0x79: {  	(xrf2) =	vadd.scan.msk.f32 $0xffff, v1;
	_ =	sdelay $0x3  }
0x7a: {  	s8 =	simm.s32 $0x10  }
0x7b: {  	v2 =	vld [tilespmem:s8+$0xF000];
	_ =	sdelay $0x4  }
0x7c: {  	s9 =	simm.s32 $0x20;
	v4, _, _ =	vpop (xrf2);
	(xrf2) =	vadd.scan.msk.f32 $0xffff, v2  }
0x7d: {  	v2 =	vld [tilespmem:s9+$0xF000];
	_ =	sdelay $0x2  }
0x7e: {  	v3 =	vimm.f32 $0.0e+00  }
0x7f: {  	s10 =	simm.s32 $0xC0;
	v1 =	vimm.s32 $0xF;
	v3 =	vadd.f32 v4, v3  }
.LBB2_8:
0x80: {  	s11 =	sshra.s32 s10, $0x2;
	p0 =	sne.s32 s10, $0x9C0;
	s10 =	sadd.s32 $0x40, s10;
	(xrf2) =	vadd.scan.msk.f32 $0xffff, v2  }
.Ltmp4:
0x81: {  	v2 =	vld [tilespmem:s11+$0xF000];
	[tilespmem:s7+$0xF280] =	vst v3;
	v3 =	vperm.xlane v3, v1;
	s7 =	smov.u32 s8;
	s8 =	smov.u32 s9;
	(pc) =	sbr.rel @p0 .LBB2_8-.Ltmp4, $3  }
0x82: {  	s9 =	smov.u32 s11;
	_ =	sdelay $0x1  }
0x83: {  	v4, _, _ =	vpop (xrf2)  }
0x84: {  	v3 =	vadd.f32 v4, v3  }
0x85: {  	(xrf2) =	vadd.scan.msk.f32 $0xffff, v2;
	_ =	sdelay $0x4  }
0x86: {  	v2 =	vperm.xlane v3, v1  }
0x87: {  	v4, _, _ =	vpop (xrf2)  }
0x88: {  	v2 =	vadd.f32 v4, v2;
	_ =	sdelay $0x1  }
0x89: {  	v4 =	vperm.xlane v2, v1  }
0x8a: {  	v5, _, _ =	vpop (xrf2)  }
0x8b: {  	v4 =	vadd.f32 v5, v4  }
0x8c: {  	[tilespmem:s7+$0xF280] =	vst v3  }
0x8d: {  	[tilespmem:s8+$0xF280] =	vst v2;
	v1 =	vperm.xlane v4, v1  }
0x8e: {  	[tilespmem:s9+$0xF280] =	vst v4  }
0x8f: {  	s30 =	simm.s32 $0xFA00;
	s7 =	simm.s32 $0x0;
	[tilespmem:$0xFA00] =	vst v1  }
0x90: {  	[hbm4b:s6+s7] =	stream.linear.scatter [tilespmem:s30], [sflag:$0x1], $0x80, $0x38;
	[tilespmem:$0x10280] =	vst v63  }
0x91: {  	s6 =	simm.s32 $0x1  }
0x92: {  	_ =	swait.ge [sflag:s6], $0x80  }
0x93: {  	v1 =	vlaneseq.u32;
	[sflag:s6] =	ssyncset.done $0x0  }
0x94: {  	v1 =	vmul.u32 $0x80, v1;
	[sflag:s6] =	ssyncadd.s32 $0xFFFFFF80  }
0x95: {  	s31 =	simm.s32 $0xFA80;
	[bflag:$0x0] =	sbarrier.arrive $0xFFFF  }
0x96: {  	[tilespmem:s31], [sflag:$0x1] =	stream.linear.gather [hbm4b:s5+s7], $0x800, $0x38;
	[tilespmem:$0x10280] =	vst v63  }
0x97: {  	_ =	swait.ge [sflag:s6], $0x800  }
0x98: {  	[sflag:s6] =	ssyncset.done $0x0  }
0x99: {  	[sflag:s6] =	ssyncadd.s32 $0xFFFFF800  }
0x9a: {  	v1 =	vld.idx.msk [tilespmem:v1+s31+$0x0], $0xffff;
	_ =	sdelay $0x4  }
0x9b: {  	(xrf2) =	vadd.scan.msk.f32 $0xffff, v1;
	_ =	sdelay $0x9  }
0x9c: {  	v2, _, _ =	vpop (xrf2)  }
0x9d: {  	v1 =	vsub.f32 v2, v1  }
0x9e: {  	s10 =	simm.s32 $0x0  }
0x9f: {  	s8 =	simm.s32 $0x400;
	s9 =	simm.s32 $0xF780;
	s5 =	simm.s32 $0x80;
	v0 =	vperm.xlane v1, v0  }
.LBB2_10:
0xa0: {  	s12 =	sshrl.u32 s10, $0x3  }
0xa1: {  	s13 =	smul.u32 $0x5000, s12  }
0xa2: {  	s11 =	sshll.u32 s10, $0x7  }
0xa3: {  	s14 =	simm.s32 $0xF280;
	s11 =	sand.u32 $0x380, s11;
	s13 =	sshra.s32 s13, $0x2  }
0xa4: {  	v1 =	vld [tilespmem:s14+$0x0];
	s13 =	sor.u32 s11, s13  }
0xa5: {  	s15 =	sand.u32 $0x1C00, s7;
	s14 =	simm.s32 $0xF000;
	s13 =	sadd.s32 $0xA000, s13  }
0xa6: {  	s16 =	sand.u32 $0x70, s7;
	v2 =	vld [tilespmem:s14+$0x0];
	s15 =	sadd.s32 s15, s13  }
0xa7: {  	s15 =	sadd.s32 s16, s15  }
0xa8: {  	v3 =	vld [tilespmem:s15+$0x0]  }
0xa9: {  	v1 =	vadd.f32 v1, v0;
	_ =	sdelay $0x1  }
0xaa: {  	v1 =	vsub.f32 v1, v2;
	_ =	sdelay $0x1  }
0xab: {  	v1 =	vadd.f32 v1, v3;
	_ =	sdelay $0x1  }
0xac: {  	s17 =	simm.s32 $0xF290;
	s19 =	simm.s32 $0x20;
	[tilespmem:s9+$0x0] =	vst v1  }
0xad: {  	s18 =	simm.s32 $0x80;
	s16 =	simm.s32 $0x10;
	s15 =	simm.s32 $0xF780;
	v1 =	vld [tilespmem:s17+$0x0]  }
.LBB2_11:
0xae: {  	p0 =	sne.s32 s19, $0x270;
	s20 =	sand.u32 $0x1C00, s18;
	s14 =	sadd.s32 $0x10, s14  }
0xaf: {  	s21 =	sand.u32 $0x70, s16;
	s16 =	smov.u32 s19;
	v2 =	vld [tilespmem:s14+$0x0];
	s20 =	sadd.s32 s20, s13  }
0xb0: {  	s20 =	sadd.s32 s21, s20  }
0xb1: {  	v3 =	vld [tilespmem:s20+$0x0]  }
0xb2: {  	v1 =	vadd.f32 v1, v0;
	_ =	sdelay $0x1  }
0xb3: {  	v1 =	vsub.f32 v1, v2  }
.Ltmp5:
0xb4: {  	(pc) =	sbr.rel @p0 .LBB2_11-.Ltmp5, $4  }
0xb5: {  	v1 =	vadd.f32 v1, v3  }
0xb6: {  	s15 =	sadd.s32 $0x10, s15  }
0xb7: {  	s17 =	sadd.s32 $0x10, s17;
	[tilespmem:s15+$0x0] =	vst v1  }
0xb8: {  	s19 =	sadd.s32 $0x10, s19;
	s18 =	sadd.s32 $0x80, s18;
	v1 =	vld [tilespmem:s17+$0x0]  }
0xb9: {  	s17 =	sand.u32 $0x1C00, s18;
	s14 =	sadd.s32 $0x10, s14  }
0xba: {  	s16 =	sand.u32 $0x70, s16;
	v2 =	vld [tilespmem:s14+$0x0];
	s13 =	sadd.s32 s17, s13  }
0xbb: {  	s13 =	sadd.s32 s16, s13  }
0xbc: {  	v3 =	vld [tilespmem:s13+$0x0]  }
0xbd: {  	v1 =	vadd.f32 v1, v0  }
0xbe: {  	s12 =	smul.u32 $0x14000, s12  }
0xbf: {  	v1 =	vsub.f32 v1, v2  }
0xc0: {  	s12 =	sadd.s32 s3, s12  }
0xc1: {  	s10 =	sadd.s32 $0x1, s10;
	s11 =	sor.u32 s11, s12;
	v1 =	vadd.f32 v1, v3  }
0xc2: {  	s31 =	sadd.s32 $0x10, s15;
	p0 =	sne.s32 s10, $0x20;
	s11 =	sshrl.u32 s11, $0x3  }
.Ltmp6:
0xc3: {  	s11 =	sadd.s32 s2, s11;
	[tilespmem:s31+$0x0] =	vst v1;
	(pc) =	sbr.rel @p0 .LBB2_10-.Ltmp6, $4  }
0xc4: {  	[hbm4b:s11+s5] =	stream.strided.scatter [tilespmem:s9], [sflag:$0x1], $0x280, s8, s5, $0x38;
	[tilespmem:$0x10280] =	vst v63  }
0xc5: {  	_ =	swait.ge [sflag:s6], $0x280  }
0xc6: {  	[sflag:s6] =	ssyncset.done $0x0  }
0xc7: {  	[sflag:s6] =	ssyncadd.s32 $0xFFFFFD80  }
0xc8: {  	s2 =	simm.s32 $0x0;
	s3 =	simm.s32 $0xF500;
	s31 =	simm.s32 $0x1  }
0xc9: {  	[hbm4b:s4+s2] =	stream.linear.scatter [tilespmem:s3], [sflag:$0x1], $0x280, $0x38;
	[tilespmem:$0x10280] =	vst v63  }
0xca: {  	_ =	swait.ge [sflag:s31], $0x280  }
0xcb: {  	[sflag:s31] =	ssyncset.done $0x0  }
0xcc: {  	[sflag:s31] =	ssyncadd.s32 $0xFFFFFD80  }
.LBB2_14:
0xcd: {  	_ =	sfence.sel $0x180000  }
0xce: {  	[bflag:$0x0] =	sbarrier.arrive $0xFFFF  }
0xcf: {  	p0 =	sne.s32 s1, $0x0;
	_ =	strace $0x9000004A  }
0xd0: {  	s0 =	sadd.s32 @!p0 $0x100000, s0;
	[bflag:$0x2] =	sbarrier.arrive $0xFFFF  }
0xd1: {  	[sflag:s0] =	ssyncadd.tile.s32 @!p0 $0x1;
	_ =	shalt  }
.Lfunc_end2:
_tile_overlayer_lowered:
.L_overlay_start_2:
0xd2: {  	(tag) =	ssettag $0x2  }
0xd3: {  	s0 =	rddreg [dreg:$0x0];
	s2 =	stileid.u32  }
0xd4: {  	s1 =	rddreg [dreg:$0x1];
	p0 =	sne.s32 s2, $0x0  }
0xd5: {  	s3 =	rddreg [dreg:$0x2];
	[bflag:$0x3] =	sbarrier.arrive $0xFFFF;
	s2 =	simm.s32 @!p0 $0x1C01  }
0xd6: {  	[timem:s3], [sflag:s2] =	dma.local @!p0 [hbm:s0], s1  }
0xd7: {  	s0 =	simm.s32 @!p0 $0x1  }
0xd8: {  	_ =	swait.ge @!p0 [sflag:s0], s1  }
0xd9: {  	s1 =	ssub.s32 @!p0 $0x0, s1;
	[sflag:s0] =	ssyncset.done @!p0 $0x0  }
0xda: {  	[sflag:s0] =	ssyncadd.s32 @!p0 s1  }
0xdb: {  	[bflag:$0x3] =	sbarrier.arrive $0xFFFF  }
0xdc: {  	_ =	shalt  }

</sc_bundles>
